<compile_context>
chip_gen: v7x
topology: tpu7x:2x2x1
jax: 0.10.2.dev20260603
libtpu: 0.0.44.dev20260713+nightly
codegen_flags: <defaults>
</compile_context>

<pallas_src>
import dataclasses

import jax
import jax.numpy as jnp
from jax import lax
from jax.experimental import pallas as pl
from jax.experimental.pallas import tpu as pltpu
from jax.experimental.pallas import tpu_sc as plsc

DIM = 128
NV = DIM // 16
NC = 2
NS = 16
NW = NC * NS
LOG_CHE = 8
CHE = 1 << LOG_CHE
NSUB = CHE // 128
D = 3


def _bag_mean_sc(table, ids_ext, off_ext, b):
    bpw = b // NW
    mesh = plsc.VectorSubcoreMesh(core_axis_name="c", subcore_axis_name="s",
                                  num_cores=NC, num_subcores=NS)

    def body(table_hbm, ids_hbm, off_hbm, out_hbm,
             idx0, idx1, idx2, rows0, rows1, rows2, outbuf_v, off_v, sm,
             sg0, sg1, sg2, si0, si1, si2):
        w = lax.axis_index("s") * NC + lax.axis_index("c")
        jbeg = pl.multiple_of(w * bpw, 8)
        pltpu.sync_copy(off_hbm.at[pl.ds(jbeg, bpw + 16)], off_v)

        def ext(j, carry):
            g = plsc.load_gather(off_v, [jnp.full((16,), j, jnp.int32)])
            sm[j] = lax.reduce_max(g, axes=(0,))
            return carry

        lax.fori_loop(0, bpw + 1, ext, jnp.int32(0))
        ws = sm[0]
        we = sm[bpw]
        c0w = lax.shift_right_logical(ws, LOG_CHE)
        nch = lax.select(
            we > ws,
            lax.shift_right_logical(we - 1, LOG_CHE) - c0w + 1,
            jnp.int32(0))

        idxs = (idx0, idx1, idx2)
        rows = (rows0, rows1, rows2)
        sgs = (sg0, sg1, sg2)
        sis = (si0, si1, si2)

        def cbase_of(ci):
            return pl.multiple_of(lax.shift_left(c0w + ci, LOG_CHE), 8)

        def ids_issue(ci, which):
            pltpu.async_copy(ids_hbm.at[pl.ds(cbase_of(ci), CHE)],
                             idxs[which], sis[which])

        def ids_wait(ci, which):
            pltpu.make_async_copy(ids_hbm.at[pl.ds(cbase_of(ci), CHE)],
                                  idxs[which], sis[which]).wait()

        def gather_issue(which):
            for k in range(NSUB):
                pltpu.async_copy(
                    table_hbm.at[idxs[which].at[pl.ds(k * 128, 128)]],
                    rows[which].at[pl.ds(k * 128, 128)], sgs[which])

        def gather_wait(which):
            for k in range(NSUB):
                pltpu.make_async_copy(
                    table_hbm.at[idxs[which].at[pl.ds(k * 128, 128)]],
                    rows[which].at[pl.ds(k * 128, 128)], sgs[which]).wait()

        def switch(m, mk, carry):
            return lax.cond(
                m == 0, mk(0),
                lambda c: lax.cond(m == 1, mk(1), mk(2), c),
                carry)

        for d in range(D):
            @pl.when(nch > d)
            def _(d=d):
                ids_issue(jnp.int32(d), d)
        for d in range(D - 1):
            @pl.when(nch > d)
            def _(d=d):
                ids_wait(jnp.int32(d), d)
                gather_issue(d)

        def event(ci):
            def mk(i):
                def go(carry):
                    gather_wait(i)

                    @pl.when(ci + 2 < nch)
                    def _():
                        ids_wait(ci + 2, (i + 2) % D)
                        gather_issue((i + 2) % D)

                    @pl.when(ci + 3 < nch)
                    def _():
                        ids_issue(ci + 3, i)
                    return carry
                return go

            switch(lax.rem(ci, D), mk, jnp.int32(0))

        acc0 = (jnp.zeros((16,), jnp.float32),) * NV

        def accum(m, lo, hi, acc):
            def mk(which):
                def go(acc):
                    def rbody(r, a):
                        return tuple(
                            a[v] + rows[which][r, pl.ds(v * 16, 16)]
                            for v in range(NV))
                    return lax.fori_loop(lo, hi, rbody, acc)
                return go
            return switch(m, mk, acc)

        def bag_body(j, loaded):
            s = sm[j]
            e = sm[j + 1]
            c0 = lax.shift_right_logical(s, LOG_CHE)
            c1 = lax.shift_right_logical(lax.max(e, s + 1) - 1, LOG_CHE)
            nspan = lax.select(e > s, c1 - c0 + 1, jnp.int32(0))

            def chunk_body(cc, carry):
                loaded, acc = carry
                ci = cc - c0w

                def load(c):
                    event(ci)
                    return cc

                loaded = lax.cond(cc != loaded, load, lambda c: c, loaded)
                cbase = pl.multiple_of(lax.shift_left(cc, LOG_CHE), 8)
                lo = lax.max(s, cbase) - cbase
                hi = lax.min(e, cbase + CHE) - cbase
                acc = accum(lax.rem(ci, D), lo, hi, acc)
                return (loaded, acc)

            loaded, acc = lax.fori_loop(c0, c0 + nspan, chunk_body,
                                        (loaded, acc0))
            cntf = lax.convert_element_type(lax.max(e - s, 1), jnp.float32)
            scale = jnp.full((16,), 1.0, jnp.float32) / jnp.full(
                (16,), cntf, jnp.float32)
            for v in range(NV):
                outbuf_v[j, pl.ds(v * 16, 16)] = acc[v] * scale
            return loaded

        lax.fori_loop(0, bpw, bag_body, jnp.int32(-1))
        pltpu.sync_copy(outbuf_v, out_hbm.at[pl.ds(jbeg, bpw)])

    cp = pltpu.CompilerParams()
    if "needs_layout_passes" in pltpu.CompilerParams.__dataclass_fields__:
        cp = dataclasses.replace(cp, needs_layout_passes=False)
    kern = pl.kernel(
        body,
        out_type=jax.ShapeDtypeStruct((b, DIM), jnp.float32),
        mesh=mesh,
        compiler_params=cp,
        scratch_types=[
            pltpu.VMEM((CHE,), jnp.int32),
            pltpu.VMEM((CHE,), jnp.int32),
            pltpu.VMEM((CHE,), jnp.int32),
            pltpu.VMEM((CHE, DIM), jnp.float32),
            pltpu.VMEM((CHE, DIM), jnp.float32),
            pltpu.VMEM((CHE, DIM), jnp.float32),
            pltpu.VMEM((bpw, DIM), jnp.float32),
            pltpu.VMEM((bpw + 16,), jnp.int32),
            pltpu.SMEM((bpw + 16,), jnp.int32),
            pltpu.SemaphoreType.DMA,
            pltpu.SemaphoreType.DMA,
            pltpu.SemaphoreType.DMA,
            pltpu.SemaphoreType.DMA,
            pltpu.SemaphoreType.DMA,
            pltpu.SemaphoreType.DMA,
        ],
    )
    return kern(table, ids_ext, off_ext)


@jax.jit
def kernel(ids, offsets, table):
    n = ids.shape[0]
    b = offsets.shape[0]
    ids_ext = jnp.concatenate(
        [ids.astype(jnp.int32), jnp.zeros((CHE,), jnp.int32)])
    pad = (-ids_ext.shape[0]) % CHE
    if pad:
        ids_ext = jnp.concatenate([ids_ext, jnp.zeros((pad,), jnp.int32)])
    off_ext = jnp.concatenate(
        [offsets.astype(jnp.int32), jnp.full((16,), n, jnp.int32)])
    return _bag_mean_sc(table, ids_ext, off_ext, b)

# --- scband reference (transcript-rebuilt; emitter-appended) ---
"""Pipeline reference for scband-static-model-69337952026935 (READ-ONLY COPY).

The authoritative reference and input builder live on the scoring server;
editing this copy changes nothing except your own understanding.
"""

import jax, jax.numpy as jnp
import numpy as np

VOCAB = 100000
DIM = 128
N_IDS = 204800
B = 4096


def setup_inputs(seed: int = 0) -> dict:
    key = jax.random.key(seed)
    k1, k2, k3 = jax.random.split(key, 3)
    ids = jax.random.randint(k1, (N_IDS,), 0, VOCAB)
    offsets = jnp.sort(jax.random.randint(k2, (B,), 0, N_IDS))
    offsets = offsets.at[0].set(0)  # EmbeddingBag requires offsets[0] == 0
    table = jax.random.normal(k3, (VOCAB, DIM), dtype=jnp.float32)
    return {"ids": ids, "offsets": offsets, "table": table}


def reference(ids, offsets, table):
    # Faithful to torch EmbeddingBag(mode='mean'): bag i covers ids[offsets[i]:offsets[i+1]],
    # last bag covers ids[offsets[-1]:]. Empty bags produce zeros.
    n = ids.shape[0]
    b = offsets.shape[0]
    seg = jnp.searchsorted(offsets, jnp.arange(n), side='right') - 1
    emb = jnp.take(table, ids, axis=0)
    sums = jax.ops.segment_sum(emb, seg, num_segments=b)
    counts = jax.ops.segment_sum(jnp.ones((n,), dtype=table.dtype), seg, num_segments=b)
    means = jnp.where(counts[:, None] > 0, sums / jnp.maximum(counts, 1.0)[:, None], 0.0)
    return means

if __name__ == "__main__":
    import jax
    _d = setup_inputs()
    print(jax.jit(kernel)(*tuple(_d.values())))

</pallas_src>

<mosaic_0001>
#map = affine_map<(d0, d1) -> (0, 0)>
#map1 = affine_map<(d0, d1) -> (0)>
module attributes {stable_mosaic.version = 14 : i64} {
  func.func @body(%arg0: i32, %arg1: i32, %arg2: memref<100000x128xf32, #tpu.memory_space<hbm>>, %arg3: memref<205056xi32, #tpu.memory_space<hbm>>, %arg4: memref<4112xi32, #tpu.memory_space<hbm>>, %arg5: memref<4096x128xf32, #tpu.memory_space<hbm>>, %arg6: memref<256xi32, #tpu.memory_space<vmem>>, %arg7: memref<256xi32, #tpu.memory_space<vmem>>, %arg8: memref<256xi32, #tpu.memory_space<vmem>>, %arg9: memref<256x128xf32, #tpu.memory_space<vmem>>, %arg10: memref<256x128xf32, #tpu.memory_space<vmem>>, %arg11: memref<256x128xf32, #tpu.memory_space<vmem>>, %arg12: memref<128x128xf32, #tpu.memory_space<vmem>>, %arg13: memref<144xi32, #tpu.memory_space<vmem>>, %arg14: memref<144xi32, #tpu.memory_space<smem>>, %arg15: memref<!tpu.dma_semaphore, #tpu.memory_space<semaphore_mem>>, %arg16: memref<!tpu.dma_semaphore, #tpu.memory_space<semaphore_mem>>, %arg17: memref<!tpu.dma_semaphore, #tpu.memory_space<semaphore_mem>>, %arg18: memref<!tpu.dma_semaphore, #tpu.memory_space<semaphore_mem>>, %arg19: memref<!tpu.dma_semaphore, #tpu.memory_space<semaphore_mem>>, %arg20: memref<!tpu.dma_semaphore, #tpu.memory_space<semaphore_mem>>) attributes {dimension_semantics = [#tpu.dimension_semantics<core_parallel>, #tpu.dimension_semantics<subcore_parallel>], iteration_bounds = array<i64: 2, 16>, scalar_prefetch = 0 : i64, scratch_operands = 15 : i64, tpu.core_type = #tpu.core_type<sc_vector_subcore>, window_params = [{transform_indices = #map}, {transform_indices = #map1}, {transform_indices = #map1}, {transform_indices = #map}]} {
    %mul3A = arith.constant 2 : i32
    %mul3A_0 = arith.muli %arg1, %mul3A : i32
    %add3A = arith.addi %mul3A_0, %arg0 : i32
    %mul3A_1 = arith.constant 128 : i32
    %mul3A_2 = arith.muli %add3A, %mul3A_1 : i32
    %multiple_of3A = tpu.assume_multiple %mul3A_2, 8 : i32
    "tpu.region"() ({
      %run_scoped3A = tpu.sem_alloc : memref<!tpu.dma_semaphore, #tpu.memory_space<semaphore_mem>>
      %dma_start3A = tpu.memref_slice %arg4[%multiple_of3A] : memref<4112xi32, #tpu.memory_space<hbm>> -> memref<144xi32, #tpu.memory_space<hbm>>
      %dma_start3A_52 = tpu.memref_slice %arg4[%multiple_of3A] : memref<4112xi32, #tpu.memory_space<hbm>> -> memref<144xi32, #tpu.memory_space<hbm>>
      tpu.enqueue_dma source(%dma_start3A_52 : memref<144xi32, #tpu.memory_space<hbm>>) target(%arg13 : memref<144xi32, #tpu.memory_space<vmem>>) target_semaphore(%run_scoped3A : memref<!tpu.dma_semaphore, #tpu.memory_space<semaphore_mem>>)
      %dma_wait3A = tpu.memref_slice %arg4[%multiple_of3A] : memref<4112xi32, #tpu.memory_space<hbm>> -> memref<144xi32, #tpu.memory_space<hbm>>
      %dma_wait3A_53 = tpu.memref_slice %arg4[%multiple_of3A] : memref<4112xi32, #tpu.memory_space<hbm>> -> memref<144xi32, #tpu.memory_space<hbm>>
      tpu.wait_dma2 semaphore(%run_scoped3A : memref<!tpu.dma_semaphore, #tpu.memory_space<semaphore_mem>>) src(%dma_wait3A_53 : memref<144xi32, #tpu.memory_space<hbm>>) dst(%arg13 : memref<144xi32, #tpu.memory_space<vmem>>)
      tpu.yield
    }) : () -> ()
    %scan3A = arith.constant 0 : i32
    %scan3A_3 = arith.constant 0 : i32
    %scan3A_4 = arith.constant 129 : i32
    %scan3A_5 = arith.addi %scan3A_3, %scan3A_4 : i32
    %scan3A_6 = arith.constant 1 : i32
    scf.for %scan3A_52 = %scan3A_3 to %scan3A_5 step %scan3A_6  : i32 {
      %broadcast_in_dim3A_53 = vector.broadcast %scan3A_52 : i32 to vector<16xi32>
      %gather3A = tpu.vector_load_idx %arg13[%broadcast_in_dim3A_53] : memref<144xi32, #tpu.memory_space<vmem>>[vector<16xi32>], vector<16xi32>,
      %reduce_max3A = arith.constant true
      %reduce_max3A_54 = vector.broadcast %reduce_max3A : i1 to vector<16xi1>
      %reduce_max3A_55 = arith.constant -2147483648 : i32
      %reduce_max3A_56 = vector.broadcast %reduce_max3A_55 : i32 to vector<16xi32>
      %reduce_max3A_57 = arith.xori %gather3A, %reduce_max3A_56 : vector<16xi32>
      %reduce_max3A_58 = tpu.scan <max>, %reduce_max3A_57 masked %reduce_max3A_54 : vector<16xi32>, vector<16xi1> -> vector<16xi32>
      %reduce_max3A_59 = arith.xori %reduce_max3A_58, %reduce_max3A_56 : vector<16xi32>
      %reduce_max3A_60 = vector.extract %reduce_max3A_59[15] : i32 from vector<16xi32>
      %swap3A = arith.index_cast %scan3A_52 : i32 to index
      %swap3A_61 = memref.load %arg14[%swap3A] : memref<144xi32, #tpu.memory_space<smem>>
      memref.store %reduce_max3A_60, %arg14[%swap3A] : memref<144xi32, #tpu.memory_space<smem>>
    }
    %scan3A_7 = arith.constant 129 : i32
    %get3A = arith.constant 0 : i32
    %get3A_8 = arith.index_cast %get3A : i32 to index
    %get3A_9 = memref.load %arg14[%get3A_8] : memref<144xi32, #tpu.memory_space<smem>>
    %get3A_10 = arith.constant 128 : i32
    %get3A_11 = arith.index_cast %get3A_10 : i32 to index
    %get3A_12 = memref.load %arg14[%get3A_11] : memref<144xi32, #tpu.memory_space<smem>>
    %shift_right_logical3A = arith.constant 8 : i32
    %shift_right_logical3A_13 = arith.shrui %get3A_9, %shift_right_logical3A : i32
    %gt3A = arith.cmpi sgt, %get3A_12, %get3A_9 : i32
    %sub3A = arith.constant 1 : i32
    %sub3A_14 = arith.subi %get3A_12, %sub3A : i32
    %shift_right_logical3A_15 = arith.constant 8 : i32
    %shift_right_logical3A_16 = arith.shrui %sub3A_14, %shift_right_logical3A_15 : i32
    %sub3A_17 = arith.subi %shift_right_logical3A_16, %shift_right_logical3A_13 : i32
    %add3A_18 = arith.constant 1 : i32
    %add3A_19 = arith.addi %sub3A_17, %add3A_18 : i32
    %select_n3A = arith.constant 0 : i32
    %select_n3A_20 = arith.select %gt3A, %add3A_19, %select_n3A : i32
    %gt3A_21 = arith.constant 0 : i32
    %gt3A_22 = arith.cmpi sgt, %select_n3A_20, %gt3A_21 : i32
    %convert_element_type3A = arith.extui %gt3A_22 : i1 to i32
    %cond3A = arith.constant 0 : i32
    %cond3A_23 = arith.cmpi ne, %convert_element_type3A, %cond3A : i32
    scf.if %cond3A_23 {
      %add3A_52 = arith.constant 0 : i32
      %add3A_53 = arith.addi %shift_right_logical3A_13, %add3A_52 : i32
      %shift_left3A = arith.constant 8 : i32
      %shift_left3A_54 = arith.shli %add3A_53, %shift_left3A : i32
      %multiple_of3A_55 = tpu.assume_multiple %shift_left3A_54, 8 : i32
      %dma_start3A = tpu.memref_slice %arg3[%multiple_of3A_55] : memref<205056xi32, #tpu.memory_space<hbm>> -> memref<256xi32, #tpu.memory_space<hbm>>
      %dma_start3A_56 = tpu.memref_slice %arg3[%multiple_of3A_55] : memref<205056xi32, #tpu.memory_space<hbm>> -> memref<256xi32, #tpu.memory_space<hbm>>
      tpu.enqueue_dma source(%dma_start3A_56 : memref<256xi32, #tpu.memory_space<hbm>>) target(%arg6 : memref<256xi32, #tpu.memory_space<vmem>>) target_semaphore(%arg18 : memref<!tpu.dma_semaphore, #tpu.memory_space<semaphore_mem>>)
    } else {
    }
    %gt3A_24 = arith.constant 1 : i32
    %gt3A_25 = arith.cmpi sgt, %select_n3A_20, %gt3A_24 : i32
    %convert_element_type3A_26 = arith.extui %gt3A_25 : i1 to i32
    %cond3A_27 = arith.constant 0 : i32
    %cond3A_28 = arith.cmpi ne, %convert_element_type3A_26, %cond3A_27 : i32
    scf.if %cond3A_28 {
      %add3A_52 = arith.constant 1 : i32
      %add3A_53 = arith.addi %shift_right_logical3A_13, %add3A_52 : i32
      %shift_left3A = arith.constant 8 : i32
      %shift_left3A_54 = arith.shli %add3A_53, %shift_left3A : i32
      %multiple_of3A_55 = tpu.assume_multiple %shift_left3A_54, 8 : i32
      %dma_start3A = tpu.memref_slice %arg3[%multiple_of3A_55] : memref<205056xi32, #tpu.memory_space<hbm>> -> memref<256xi32, #tpu.memory_space<hbm>>
      %dma_start3A_56 = tpu.memref_slice %arg3[%multiple_of3A_55] : memref<205056xi32, #tpu.memory_space<hbm>> -> memref<256xi32, #tpu.memory_space<hbm>>
      tpu.enqueue_dma source(%dma_start3A_56 : memref<256xi32, #tpu.memory_space<hbm>>) target(%arg7 : memref<256xi32, #tpu.memory_space<vmem>>) target_semaphore(%arg19 : memref<!tpu.dma_semaphore, #tpu.memory_space<semaphore_mem>>)
    } else {
    }
    %gt3A_29 = arith.constant 2 : i32
    %gt3A_30 = arith.cmpi sgt, %select_n3A_20, %gt3A_29 : i32
    %convert_element_type3A_31 = arith.extui %gt3A_30 : i1 to i32
    %cond3A_32 = arith.constant 0 : i32
    %cond3A_33 = arith.cmpi ne, %convert_element_type3A_31, %cond3A_32 : i32
    scf.if %cond3A_33 {
      %add3A_52 = arith.constant 2 : i32
      %add3A_53 = arith.addi %shift_right_logical3A_13, %add3A_52 : i32
      %shift_left3A = arith.constant 8 : i32
      %shift_left3A_54 = arith.shli %add3A_53, %shift_left3A : i32
      %multiple_of3A_55 = tpu.assume_multiple %shift_left3A_54, 8 : i32
      %dma_start3A = tpu.memref_slice %arg3[%multiple_of3A_55] : memref<205056xi32, #tpu.memory_space<hbm>> -> memref<256xi32, #tpu.memory_space<hbm>>
      %dma_start3A_56 = tpu.memref_slice %arg3[%multiple_of3A_55] : memref<205056xi32, #tpu.memory_space<hbm>> -> memref<256xi32, #tpu.memory_space<hbm>>
      tpu.enqueue_dma source(%dma_start3A_56 : memref<256xi32, #tpu.memory_space<hbm>>) target(%arg8 : memref<256xi32, #tpu.memory_space<vmem>>) target_semaphore(%arg20 : memref<!tpu.dma_semaphore, #tpu.memory_space<semaphore_mem>>)
    } else {
    }
    %gt3A_34 = arith.constant 0 : i32
    %gt3A_35 = arith.cmpi sgt, %select_n3A_20, %gt3A_34 : i32
    %convert_element_type3A_36 = arith.extui %gt3A_35 : i1 to i32
    %cond3A_37 = arith.constant 0 : i32
    %cond3A_38 = arith.cmpi ne, %convert_element_type3A_36, %cond3A_37 : i32
    scf.if %cond3A_38 {
      %add3A_52 = arith.constant 0 : i32
      %add3A_53 = arith.addi %shift_right_logical3A_13, %add3A_52 : i32
      %shift_left3A = arith.constant 8 : i32
      %shift_left3A_54 = arith.shli %add3A_53, %shift_left3A : i32
      %multiple_of3A_55 = tpu.assume_multiple %shift_left3A_54, 8 : i32
      %dma_wait3A = tpu.memref_slice %arg3[%multiple_of3A_55] : memref<205056xi32, #tpu.memory_space<hbm>> -> memref<256xi32, #tpu.memory_space<hbm>>
      %dma_wait3A_56 = tpu.memref_slice %arg3[%multiple_of3A_55] : memref<205056xi32, #tpu.memory_space<hbm>> -> memref<256xi32, #tpu.memory_space<hbm>>
      tpu.wait_dma2 semaphore(%arg18 : memref<!tpu.dma_semaphore, #tpu.memory_space<semaphore_mem>>) src(%dma_wait3A_56 : memref<256xi32, #tpu.memory_space<hbm>>) dst(%arg6 : memref<256xi32, #tpu.memory_space<vmem>>)
      %dma_start3A = arith.constant 0 : i32
      %dma_start3A_57 = arith.constant 0 : i32
      %dma_start3A_58 = tpu.memref_slice %arg9[%dma_start3A, %dma_start3A_57] : memref<256x128xf32, #tpu.memory_space<vmem>> -> memref<128x128xf32, #tpu.memory_space<vmem>>
      %dma_start3A_59 = arith.constant 0 : i32
      %dma_start3A_60 = tpu.memref_slice %arg6[%dma_start3A_59] : memref<256xi32, #tpu.memory_space<vmem>> -> memref<128xi32, #tpu.memory_space<vmem>>
      %dma_start3A_61 = arith.constant 0 : i32
      %dma_start3A_62 = arith.constant 0 : i32
      %dma_start3A_63 = tpu.memref_slice %arg2[%dma_start3A_61, %dma_start3A_62] : memref<100000x128xf32, #tpu.memory_space<hbm>> -> memref<100000x128xf32, #tpu.memory_space<hbm>>
      tpu.enqueue_indirect_dma source(%dma_start3A_63 : memref<100000x128xf32, #tpu.memory_space<hbm>>) target(%dma_start3A_58 : memref<128x128xf32, #tpu.memory_space<vmem>>) offsets(%dma_start3A_60 : memref<128xi32, #tpu.memory_space<vmem>>) semaphore(%arg15 : memref<!tpu.dma_semaphore, #tpu.memory_space<semaphore_mem>>)
      %dma_start3A_64 = arith.constant 128 : i32
      %dma_start3A_65 = arith.constant 0 : i32
      %dma_start3A_66 = tpu.memref_slice %arg9[%dma_start3A_64, %dma_start3A_65] : memref<256x128xf32, #tpu.memory_space<vmem>> -> memref<128x128xf32, #tpu.memory_space<vmem>>
      %dma_start3A_67 = arith.constant 128 : i32
      %dma_start3A_68 = tpu.memref_slice %arg6[%dma_start3A_67] : memref<256xi32, #tpu.memory_space<vmem>> -> memref<128xi32, #tpu.memory_space<vmem>>
      %dma_start3A_69 = arith.constant 0 : i32
      %dma_start3A_70 = arith.constant 0 : i32
      %dma_start3A_71 = tpu.memref_slice %arg2[%dma_start3A_69, %dma_start3A_70] : memref<100000x128xf32, #tpu.memory_space<hbm>> -> memref<100000x128xf32, #tpu.memory_space<hbm>>
      tpu.enqueue_indirect_dma source(%dma_start3A_71 : memref<100000x128xf32, #tpu.memory_space<hbm>>) target(%dma_start3A_66 : memref<128x128xf32, #tpu.memory_space<vmem>>) offsets(%dma_start3A_68 : memref<128xi32, #tpu.memory_space<vmem>>) semaphore(%arg15 : memref<!tpu.dma_semaphore, #tpu.memory_space<semaphore_mem>>)
    } else {
    }
    %gt3A_39 = arith.constant 1 : i32
    %gt3A_40 = arith.cmpi sgt, %select_n3A_20, %gt3A_39 : i32
    %convert_element_type3A_41 = arith.extui %gt3A_40 : i1 to i32
    %cond3A_42 = arith.constant 0 : i32
    %cond3A_43 = arith.cmpi ne, %convert_element_type3A_41, %cond3A_42 : i32
    scf.if %cond3A_43 {
      %add3A_52 = arith.constant 1 : i32
      %add3A_53 = arith.addi %shift_right_logical3A_13, %add3A_52 : i32
      %shift_left3A = arith.constant 8 : i32
      %shift_left3A_54 = arith.shli %add3A_53, %shift_left3A : i32
      %multiple_of3A_55 = tpu.assume_multiple %shift_left3A_54, 8 : i32
      %dma_wait3A = tpu.memref_slice %arg3[%multiple_of3A_55] : memref<205056xi32, #tpu.memory_space<hbm>> -> memref<256xi32, #tpu.memory_space<hbm>>
      %dma_wait3A_56 = tpu.memref_slice %arg3[%multiple_of3A_55] : memref<205056xi32, #tpu.memory_space<hbm>> -> memref<256xi32, #tpu.memory_space<hbm>>
      tpu.wait_dma2 semaphore(%arg19 : memref<!tpu.dma_semaphore, #tpu.memory_space<semaphore_mem>>) src(%dma_wait3A_56 : memref<256xi32, #tpu.memory_space<hbm>>) dst(%arg7 : memref<256xi32, #tpu.memory_space<vmem>>)
      %dma_start3A = arith.constant 0 : i32
      %dma_start3A_57 = arith.constant 0 : i32
      %dma_start3A_58 = tpu.memref_slice %arg10[%dma_start3A, %dma_start3A_57] : memref<256x128xf32, #tpu.memory_space<vmem>> -> memref<128x128xf32, #tpu.memory_space<vmem>>
      %dma_start3A_59 = arith.constant 0 : i32
      %dma_start3A_60 = tpu.memref_slice %arg7[%dma_start3A_59] : memref<256xi32, #tpu.memory_space<vmem>> -> memref<128xi32, #tpu.memory_space<vmem>>
      %dma_start3A_61 = arith.constant 0 : i32
      %dma_start3A_62 = arith.constant 0 : i32
      %dma_start3A_63 = tpu.memref_slice %arg2[%dma_start3A_61, %dma_start3A_62] : memref<100000x128xf32, #tpu.memory_space<hbm>> -> memref<100000x128xf32, #tpu.memory_space<hbm>>
      tpu.enqueue_indirect_dma source(%dma_start3A_63 : memref<100000x128xf32, #tpu.memory_space<hbm>>) target(%dma_start3A_58 : memref<128x128xf32, #tpu.memory_space<vmem>>) offsets(%dma_start3A_60 : memref<128xi32, #tpu.memory_space<vmem>>) semaphore(%arg16 : memref<!tpu.dma_semaphore, #tpu.memory_space<semaphore_mem>>)
      %dma_start3A_64 = arith.constant 128 : i32
      %dma_start3A_65 = arith.constant 0 : i32
      %dma_start3A_66 = tpu.memref_slice %arg10[%dma_start3A_64, %dma_start3A_65] : memref<256x128xf32, #tpu.memory_space<vmem>> -> memref<128x128xf32, #tpu.memory_space<vmem>>
      %dma_start3A_67 = arith.constant 128 : i32
      %dma_start3A_68 = tpu.memref_slice %arg7[%dma_start3A_67] : memref<256xi32, #tpu.memory_space<vmem>> -> memref<128xi32, #tpu.memory_space<vmem>>
      %dma_start3A_69 = arith.constant 0 : i32
      %dma_start3A_70 = arith.constant 0 : i32
      %dma_start3A_71 = tpu.memref_slice %arg2[%dma_start3A_69, %dma_start3A_70] : memref<100000x128xf32, #tpu.memory_space<hbm>> -> memref<100000x128xf32, #tpu.memory_space<hbm>>
      tpu.enqueue_indirect_dma source(%dma_start3A_71 : memref<100000x128xf32, #tpu.memory_space<hbm>>) target(%dma_start3A_66 : memref<128x128xf32, #tpu.memory_space<vmem>>) offsets(%dma_start3A_68 : memref<128xi32, #tpu.memory_space<vmem>>) semaphore(%arg16 : memref<!tpu.dma_semaphore, #tpu.memory_space<semaphore_mem>>)
    } else {
    }
    %broadcast_in_dim3A = arith.constant 0.000000e+00 : f32
    %broadcast_in_dim3A_44 = vector.broadcast %broadcast_in_dim3A : f32 to vector<16xf32>
    %scan3A_45 = arith.constant -1 : i32
    %scan3A_46 = arith.constant 0 : i32
    %scan3A_47 = arith.constant 128 : i32
    %scan3A_48 = arith.addi %scan3A_46, %scan3A_47 : i32
    %scan3A_49 = arith.constant 1 : i32
    %scan3A_50 = scf.for %scan3A_52 = %scan3A_46 to %scan3A_48 step %scan3A_49 iter_args(%scan3A_53 = %scan3A_45) -> (i32)  : i32 {
      %get3A_54 = arith.index_cast %scan3A_52 : i32 to index
      %get3A_55 = memref.load %arg14[%get3A_54] : memref<144xi32, #tpu.memory_space<smem>>
      %add3A_56 = arith.constant 1 : i32
      %add3A_57 = arith.addi %scan3A_52, %add3A_56 : i32
      %get3A_58 = arith.index_cast %add3A_57 : i32 to index
      %get3A_59 = memref.load %arg14[%get3A_58] : memref<144xi32, #tpu.memory_space<smem>>
      %shift_right_logical3A_60 = arith.constant 8 : i32
      %shift_right_logical3A_61 = arith.shrui %get3A_55, %shift_right_logical3A_60 : i32
      %add3A_62 = arith.constant 1 : i32
      %add3A_63 = arith.addi %get3A_55, %add3A_62 : i32
      %max3A = arith.maxsi %get3A_59, %add3A_63 : i32
      %sub3A_64 = arith.constant 1 : i32
      %sub3A_65 = arith.subi %max3A, %sub3A_64 : i32
      %shift_right_logical3A_66 = arith.constant 8 : i32
      %shift_right_logical3A_67 = arith.shrui %sub3A_65, %shift_right_logical3A_66 : i32
      %gt3A_68 = arith.cmpi sgt, %get3A_59, %get3A_55 : i32
      %sub3A_69 = arith.subi %shift_right_logical3A_67, %shift_right_logical3A_61 : i32
      %add3A_70 = arith.constant 1 : i32
      %add3A_71 = arith.addi %sub3A_69, %add3A_70 : i32
      %select_n3A_72 = arith.constant 0 : i32
      %select_n3A_73 = arith.select %gt3A_68, %add3A_71, %select_n3A_72 : i32
      %add3A_74 = arith.addi %shift_right_logical3A_61, %select_n3A_73 : i32
      %while3A = arith.subi %add3A_74, %shift_right_logical3A_61 : i32
      %while3A_75 = arith.addi %shift_right_logical3A_61, %while3A : i32
      %while3A_76 = arith.constant 1 : i32
      %while3A_77 = arith.divsi %while3A, %while3A_76 : i32
      %while3A_78 = arith.muli %while3A_77, %while3A_76 : i32
      %while3A_79 = arith.addi %shift_right_logical3A_61, %while3A_78 : i32
      %while3A_80 = arith.constant 1 : i32
      %while3A_81:9 = scf.for %while3A_122 = %shift_right_logical3A_61 to %while3A_79 step %while3A_80 iter_args(%while3A_123 = %scan3A_53, %while3A_124 = %broadcast_in_dim3A_44, %while3A_125 = %broadcast_in_dim3A_44, %while3A_126 = %broadcast_in_dim3A_44, %while3A_127 = %broadcast_in_dim3A_44, %while3A_128 = %broadcast_in_dim3A_44, %while3A_129 = %broadcast_in_dim3A_44, %while3A_130 = %broadcast_in_dim3A_44, %while3A_131 = %broadcast_in_dim3A_44) -> (i32, vector<16xf32>, vector<16xf32>, vector<16xf32>, vector<16xf32>, vector<16xf32>, vector<16xf32>, vector<16xf32>, vector<16xf32>)  : i32 {
        %sub3A_132 = arith.subi %while3A_122, %shift_right_logical3A_13 : i32
        %ne3A = arith.cmpi ne, %while3A_122, %while3A_123 : i32
        %convert_element_type3A_133 = arith.extui %ne3A : i1 to i32
        %cond3A_134 = arith.constant 0 : i32
        %cond3A_135 = arith.cmpi ne, %convert_element_type3A_133, %cond3A_134 : i32
        %cond3A_136 = scf.if %cond3A_135 -> (i32) {
          %rem3A_150 = arith.constant 3 : i32
          %rem3A_151 = arith.remsi %sub3A_132, %rem3A_150 : i32
          %eq3A_152 = arith.constant 0 : i32
          %eq3A_153 = arith.cmpi eq, %rem3A_151, %eq3A_152 : i32
          %convert_element_type3A_154 = arith.extui %eq3A_153 : i1 to i32
          %cond3A_155 = arith.constant 0 : i32
          %cond3A_156 = arith.constant 0 : i32
          %cond3A_157 = arith.cmpi ne, %convert_element_type3A_154, %cond3A_156 : i32
          scf.if %cond3A_157 {
            %dma_wait3A = arith.constant 0 : i32
            %dma_wait3A_158 = arith.constant 0 : i32
            %dma_wait3A_159 = tpu.memref_slice %arg9[%dma_wait3A, %dma_wait3A_158] : memref<256x128xf32, #tpu.memory_space<vmem>> -> memref<128x128xf32, #tpu.memory_space<vmem>>
            %dma_wait3A_160 = arith.constant 0 : i32
            %dma_wait3A_161 = tpu.memref_slice %arg6[%dma_wait3A_160] : memref<256xi32, #tpu.memory_space<vmem>> -> memref<128xi32, #tpu.memory_space<vmem>>
            %dma_wait3A_162 = arith.constant 0 : i32
            %dma_wait3A_163 = arith.constant 0 : i32
            %dma_wait3A_164 = tpu.memref_slice %arg2[%dma_wait3A_162, %dma_wait3A_163] : memref<100000x128xf32, #tpu.memory_space<hbm>> -> memref<100000x128xf32, #tpu.memory_space<hbm>>
            tpu.wait_indirect_dma semaphore(%arg15 : memref<!tpu.dma_semaphore, #tpu.memory_space<semaphore_mem>>) src(%dma_wait3A_164 : memref<100000x128xf32, #tpu.memory_space<hbm>>) dst(%dma_wait3A_159 : memref<128x128xf32, #tpu.memory_space<vmem>>)
            %dma_wait3A_165 = arith.constant 128 : i32
            %dma_wait3A_166 = arith.constant 0 : i32
            %dma_wait3A_167 = tpu.memref_slice %arg9[%dma_wait3A_165, %dma_wait3A_166] : memref<256x128xf32, #tpu.memory_space<vmem>> -> memref<128x128xf32, #tpu.memory_space<vmem>>
            %dma_wait3A_168 = arith.constant 128 : i32
            %dma_wait3A_169 = tpu.memref_slice %arg6[%dma_wait3A_168] : memref<256xi32, #tpu.memory_space<vmem>> -> memref<128xi32, #tpu.memory_space<vmem>>
            %dma_wait3A_170 = arith.constant 0 : i32
            %dma_wait3A_171 = arith.constant 0 : i32
            %dma_wait3A_172 = tpu.memref_slice %arg2[%dma_wait3A_170, %dma_wait3A_171] : memref<100000x128xf32, #tpu.memory_space<hbm>> -> memref<100000x128xf32, #tpu.memory_space<hbm>>
            tpu.wait_indirect_dma semaphore(%arg15 : memref<!tpu.dma_semaphore, #tpu.memory_space<semaphore_mem>>) src(%dma_wait3A_172 : memref<100000x128xf32, #tpu.memory_space<hbm>>) dst(%dma_wait3A_167 : memref<128x128xf32, #tpu.memory_space<vmem>>)
            %add3A_173 = arith.constant 2 : i32
            %add3A_174 = arith.addi %sub3A_132, %add3A_173 : i32
            %lt3A = arith.cmpi slt, %add3A_174, %select_n3A_20 : i32
            %convert_element_type3A_175 = arith.extui %lt3A : i1 to i32
            %cond3A_176 = arith.constant 0 : i32
            %cond3A_177 = arith.cmpi ne, %convert_element_type3A_175, %cond3A_176 : i32
            scf.if %cond3A_177 {
              %add3A_184 = arith.constant 2 : i32
              %add3A_185 = arith.addi %sub3A_132, %add3A_184 : i32
              %add3A_186 = arith.addi %shift_right_logical3A_13, %add3A_185 : i32
              %shift_left3A_187 = arith.constant 8 : i32
              %shift_left3A_188 = arith.shli %add3A_186, %shift_left3A_187 : i32
              %multiple_of3A_189 = tpu.assume_multiple %shift_left3A_188, 8 : i32
              %dma_wait3A_190 = tpu.memref_slice %arg3[%multiple_of3A_189] : memref<205056xi32, #tpu.memory_space<hbm>> -> memref<256xi32, #tpu.memory_space<hbm>>
              %dma_wait3A_191 = tpu.memref_slice %arg3[%multiple_of3A_189] : memref<205056xi32, #tpu.memory_space<hbm>> -> memref<256xi32, #tpu.memory_space<hbm>>
              tpu.wait_dma2 semaphore(%arg20 : memref<!tpu.dma_semaphore, #tpu.memory_space<semaphore_mem>>) src(%dma_wait3A_191 : memref<256xi32, #tpu.memory_space<hbm>>) dst(%arg8 : memref<256xi32, #tpu.memory_space<vmem>>)
              %dma_start3A = arith.constant 0 : i32
              %dma_start3A_192 = arith.constant 0 : i32
              %dma_start3A_193 = tpu.memref_slice %arg11[%dma_start3A, %dma_start3A_192] : memref<256x128xf32, #tpu.memory_space<vmem>> -> memref<128x128xf32, #tpu.memory_space<vmem>>
              %dma_start3A_194 = arith.constant 0 : i32
              %dma_start3A_195 = tpu.memref_slice %arg8[%dma_start3A_194] : memref<256xi32, #tpu.memory_space<vmem>> -> memref<128xi32, #tpu.memory_space<vmem>>
              %dma_start3A_196 = arith.constant 0 : i32
              %dma_start3A_197 = arith.constant 0 : i32
              %dma_start3A_198 = tpu.memref_slice %arg2[%dma_start3A_196, %dma_start3A_197] : memref<100000x128xf32, #tpu.memory_space<hbm>> -> memref<100000x128xf32, #tpu.memory_space<hbm>>
              tpu.enqueue_indirect_dma source(%dma_start3A_198 : memref<100000x128xf32, #tpu.memory_space<hbm>>) target(%dma_start3A_193 : memref<128x128xf32, #tpu.memory_space<vmem>>) offsets(%dma_start3A_195 : memref<128xi32, #tpu.memory_space<vmem>>) semaphore(%arg17 : memref<!tpu.dma_semaphore, #tpu.memory_space<semaphore_mem>>)
              %dma_start3A_199 = arith.constant 128 : i32
              %dma_start3A_200 = arith.constant 0 : i32
              %dma_start3A_201 = tpu.memref_slice %arg11[%dma_start3A_199, %dma_start3A_200] : memref<256x128xf32, #tpu.memory_space<vmem>> -> memref<128x128xf32, #tpu.memory_space<vmem>>
              %dma_start3A_202 = arith.constant 128 : i32
              %dma_start3A_203 = tpu.memref_slice %arg8[%dma_start3A_202] : memref<256xi32, #tpu.memory_space<vmem>> -> memref<128xi32, #tpu.memory_space<vmem>>
              %dma_start3A_204 = arith.constant 0 : i32
              %dma_start3A_205 = arith.constant 0 : i32
              %dma_start3A_206 = tpu.memref_slice %arg2[%dma_start3A_204, %dma_start3A_205] : memref<100000x128xf32, #tpu.memory_space<hbm>> -> memref<100000x128xf32, #tpu.memory_space<hbm>>
              tpu.enqueue_indirect_dma source(%dma_start3A_206 : memref<100000x128xf32, #tpu.memory_space<hbm>>) target(%dma_start3A_201 : memref<128x128xf32, #tpu.memory_space<vmem>>) offsets(%dma_start3A_203 : memref<128xi32, #tpu.memory_space<vmem>>) semaphore(%arg17 : memref<!tpu.dma_semaphore, #tpu.memory_space<semaphore_mem>>)
            } else {
            }
            %add3A_178 = arith.constant 3 : i32
            %add3A_179 = arith.addi %sub3A_132, %add3A_178 : i32
            %lt3A_180 = arith.cmpi slt, %add3A_179, %select_n3A_20 : i32
            %convert_element_type3A_181 = arith.extui %lt3A_180 : i1 to i32
            %cond3A_182 = arith.constant 0 : i32
            %cond3A_183 = arith.cmpi ne, %convert_element_type3A_181, %cond3A_182 : i32
            scf.if %cond3A_183 {
              %add3A_184 = arith.constant 3 : i32
              %add3A_185 = arith.addi %sub3A_132, %add3A_184 : i32
              %add3A_186 = arith.addi %shift_right_logical3A_13, %add3A_185 : i32
              %shift_left3A_187 = arith.constant 8 : i32
              %shift_left3A_188 = arith.shli %add3A_186, %shift_left3A_187 : i32
              %multiple_of3A_189 = tpu.assume_multiple %shift_left3A_188, 8 : i32
              %dma_start3A = tpu.memref_slice %arg3[%multiple_of3A_189] : memref<205056xi32, #tpu.memory_space<hbm>> -> memref<256xi32, #tpu.memory_space<hbm>>
              %dma_start3A_190 = tpu.memref_slice %arg3[%multiple_of3A_189] : memref<205056xi32, #tpu.memory_space<hbm>> -> memref<256xi32, #tpu.memory_space<hbm>>
              tpu.enqueue_dma source(%dma_start3A_190 : memref<256xi32, #tpu.memory_space<hbm>>) target(%arg6 : memref<256xi32, #tpu.memory_space<vmem>>) target_semaphore(%arg18 : memref<!tpu.dma_semaphore, #tpu.memory_space<semaphore_mem>>)
            } else {
            }
          } else {
            %eq3A_158 = arith.constant 1 : i32
            %eq3A_159 = arith.cmpi eq, %rem3A_151, %eq3A_158 : i32
            %convert_element_type3A_160 = arith.extui %eq3A_159 : i1 to i32
            %cond3A_161 = arith.constant 0 : i32
            %cond3A_162 = arith.cmpi ne, %convert_element_type3A_160, %cond3A_161 : i32
            scf.if %cond3A_162 {
              %dma_wait3A = arith.constant 0 : i32
              %dma_wait3A_163 = arith.constant 0 : i32
              %dma_wait3A_164 = tpu.memref_slice %arg10[%dma_wait3A, %dma_wait3A_163] : memref<256x128xf32, #tpu.memory_space<vmem>> -> memref<128x128xf32, #tpu.memory_space<vmem>>
              %dma_wait3A_165 = arith.constant 0 : i32
              %dma_wait3A_166 = tpu.memref_slice %arg7[%dma_wait3A_165] : memref<256xi32, #tpu.memory_space<vmem>> -> memref<128xi32, #tpu.memory_space<vmem>>
              %dma_wait3A_167 = arith.constant 0 : i32
              %dma_wait3A_168 = arith.constant 0 : i32
              %dma_wait3A_169 = tpu.memref_slice %arg2[%dma_wait3A_167, %dma_wait3A_168] : memref<100000x128xf32, #tpu.memory_space<hbm>> -> memref<100000x128xf32, #tpu.memory_space<hbm>>
              tpu.wait_indirect_dma semaphore(%arg16 : memref<!tpu.dma_semaphore, #tpu.memory_space<semaphore_mem>>) src(%dma_wait3A_169 : memref<100000x128xf32, #tpu.memory_space<hbm>>) dst(%dma_wait3A_164 : memref<128x128xf32, #tpu.memory_space<vmem>>)
              %dma_wait3A_170 = arith.constant 128 : i32
              %dma_wait3A_171 = arith.constant 0 : i32
              %dma_wait3A_172 = tpu.memref_slice %arg10[%dma_wait3A_170, %dma_wait3A_171] : memref<256x128xf32, #tpu.memory_space<vmem>> -> memref<128x128xf32, #tpu.memory_space<vmem>>
              %dma_wait3A_173 = arith.constant 128 : i32
              %dma_wait3A_174 = tpu.memref_slice %arg7[%dma_wait3A_173] : memref<256xi32, #tpu.memory_space<vmem>> -> memref<128xi32, #tpu.memory_space<vmem>>
              %dma_wait3A_175 = arith.constant 0 : i32
              %dma_wait3A_176 = arith.constant 0 : i32
              %dma_wait3A_177 = tpu.memref_slice %arg2[%dma_wait3A_175, %dma_wait3A_176] : memref<100000x128xf32, #tpu.memory_space<hbm>> -> memref<100000x128xf32, #tpu.memory_space<hbm>>
              tpu.wait_indirect_dma semaphore(%arg16 : memref<!tpu.dma_semaphore, #tpu.memory_space<semaphore_mem>>) src(%dma_wait3A_177 : memref<100000x128xf32, #tpu.memory_space<hbm>>) dst(%dma_wait3A_172 : memref<128x128xf32, #tpu.memory_space<vmem>>)
              %add3A_178 = arith.constant 2 : i32
              %add3A_179 = arith.addi %sub3A_132, %add3A_178 : i32
              %lt3A = arith.cmpi slt, %add3A_179, %select_n3A_20 : i32
              %convert_element_type3A_180 = arith.extui %lt3A : i1 to i32
              %cond3A_181 = arith.constant 0 : i32
              %cond3A_182 = arith.cmpi ne, %convert_element_type3A_180, %cond3A_181 : i32
              scf.if %cond3A_182 {
                %add3A_189 = arith.constant 2 : i32
                %add3A_190 = arith.addi %sub3A_132, %add3A_189 : i32
                %add3A_191 = arith.addi %shift_right_logical3A_13, %add3A_190 : i32
                %shift_left3A_192 = arith.constant 8 : i32
                %shift_left3A_193 = arith.shli %add3A_191, %shift_left3A_192 : i32
                %multiple_of3A_194 = tpu.assume_multiple %shift_left3A_193, 8 : i32
                %dma_wait3A_195 = tpu.memref_slice %arg3[%multiple_of3A_194] : memref<205056xi32, #tpu.memory_space<hbm>> -> memref<256xi32, #tpu.memory_space<hbm>>
                %dma_wait3A_196 = tpu.memref_slice %arg3[%multiple_of3A_194] : memref<205056xi32, #tpu.memory_space<hbm>> -> memref<256xi32, #tpu.memory_space<hbm>>
                tpu.wait_dma2 semaphore(%arg18 : memref<!tpu.dma_semaphore, #tpu.memory_space<semaphore_mem>>) src(%dma_wait3A_196 : memref<256xi32, #tpu.memory_space<hbm>>) dst(%arg6 : memref<256xi32, #tpu.memory_space<vmem>>)
                %dma_start3A = arith.constant 0 : i32
                %dma_start3A_197 = arith.constant 0 : i32
                %dma_start3A_198 = tpu.memref_slice %arg9[%dma_start3A, %dma_start3A_197] : memref<256x128xf32, #tpu.memory_space<vmem>> -> memref<128x128xf32, #tpu.memory_space<vmem>>
                %dma_start3A_199 = arith.constant 0 : i32
                %dma_start3A_200 = tpu.memref_slice %arg6[%dma_start3A_199] : memref<256xi32, #tpu.memory_space<vmem>> -> memref<128xi32, #tpu.memory_space<vmem>>
                %dma_start3A_201 = arith.constant 0 : i32
                %dma_start3A_202 = arith.constant 0 : i32
                %dma_start3A_203 = tpu.memref_slice %arg2[%dma_start3A_201, %dma_start3A_202] : memref<100000x128xf32, #tpu.memory_space<hbm>> -> memref<100000x128xf32, #tpu.memory_space<hbm>>
                tpu.enqueue_indirect_dma source(%dma_start3A_203 : memref<100000x128xf32, #tpu.memory_space<hbm>>) target(%dma_start3A_198 : memref<128x128xf32, #tpu.memory_space<vmem>>) offsets(%dma_start3A_200 : memref<128xi32, #tpu.memory_space<vmem>>) semaphore(%arg15 : memref<!tpu.dma_semaphore, #tpu.memory_space<semaphore_mem>>)
                %dma_start3A_204 = arith.constant 128 : i32
                %dma_start3A_205 = arith.constant 0 : i32
                %dma_start3A_206 = tpu.memref_slice %arg9[%dma_start3A_204, %dma_start3A_205] : memref<256x128xf32, #tpu.memory_space<vmem>> -> memref<128x128xf32, #tpu.memory_space<vmem>>
                %dma_start3A_207 = arith.constant 128 : i32
                %dma_start3A_208 = tpu.memref_slice %arg6[%dma_start3A_207] : memref<256xi32, #tpu.memory_space<vmem>> -> memref<128xi32, #tpu.memory_space<vmem>>
                %dma_start3A_209 = arith.constant 0 : i32
                %dma_start3A_210 = arith.constant 0 : i32
                %dma_start3A_211 = tpu.memref_slice %arg2[%dma_start3A_209, %dma_start3A_210] : memref<100000x128xf32, #tpu.memory_space<hbm>> -> memref<100000x128xf32, #tpu.memory_space<hbm>>
                tpu.enqueue_indirect_dma source(%dma_start3A_211 : memref<100000x128xf32, #tpu.memory_space<hbm>>) target(%dma_start3A_206 : memref<128x128xf32, #tpu.memory_space<vmem>>) offsets(%dma_start3A_208 : memref<128xi32, #tpu.memory_space<vmem>>) semaphore(%arg15 : memref<!tpu.dma_semaphore, #tpu.memory_space<semaphore_mem>>)
              } else {
              }
              %add3A_183 = arith.constant 3 : i32
              %add3A_184 = arith.addi %sub3A_132, %add3A_183 : i32
              %lt3A_185 = arith.cmpi slt, %add3A_184, %select_n3A_20 : i32
              %convert_element_type3A_186 = arith.extui %lt3A_185 : i1 to i32
              %cond3A_187 = arith.constant 0 : i32
              %cond3A_188 = arith.cmpi ne, %convert_element_type3A_186, %cond3A_187 : i32
              scf.if %cond3A_188 {
                %add3A_189 = arith.constant 3 : i32
                %add3A_190 = arith.addi %sub3A_132, %add3A_189 : i32
                %add3A_191 = arith.addi %shift_right_logical3A_13, %add3A_190 : i32
                %shift_left3A_192 = arith.constant 8 : i32
                %shift_left3A_193 = arith.shli %add3A_191, %shift_left3A_192 : i32
                %multiple_of3A_194 = tpu.assume_multiple %shift_left3A_193, 8 : i32
                %dma_start3A = tpu.memref_slice %arg3[%multiple_of3A_194] : memref<205056xi32, #tpu.memory_space<hbm>> -> memref<256xi32, #tpu.memory_space<hbm>>
                %dma_start3A_195 = tpu.memref_slice %arg3[%multiple_of3A_194] : memref<205056xi32, #tpu.memory_space<hbm>> -> memref<256xi32, #tpu.memory_space<hbm>>
                tpu.enqueue_dma source(%dma_start3A_195 : memref<256xi32, #tpu.memory_space<hbm>>) target(%arg7 : memref<256xi32, #tpu.memory_space<vmem>>) target_semaphore(%arg19 : memref<!tpu.dma_semaphore, #tpu.memory_space<semaphore_mem>>)
              } else {
              }
            } else {
              %dma_wait3A = arith.constant 0 : i32
              %dma_wait3A_163 = arith.constant 0 : i32
              %dma_wait3A_164 = tpu.memref_slice %arg11[%dma_wait3A, %dma_wait3A_163] : memref<256x128xf32, #tpu.memory_space<vmem>> -> memref<128x128xf32, #tpu.memory_space<vmem>>
              %dma_wait3A_165 = arith.constant 0 : i32
              %dma_wait3A_166 = tpu.memref_slice %arg8[%dma_wait3A_165] : memref<256xi32, #tpu.memory_space<vmem>> -> memref<128xi32, #tpu.memory_space<vmem>>
              %dma_wait3A_167 = arith.constant 0 : i32
              %dma_wait3A_168 = arith.constant 0 : i32
              %dma_wait3A_169 = tpu.memref_slice %arg2[%dma_wait3A_167, %dma_wait3A_168] : memref<100000x128xf32, #tpu.memory_space<hbm>> -> memref<100000x128xf32, #tpu.memory_space<hbm>>
              tpu.wait_indirect_dma semaphore(%arg17 : memref<!tpu.dma_semaphore, #tpu.memory_space<semaphore_mem>>) src(%dma_wait3A_169 : memref<100000x128xf32, #tpu.memory_space<hbm>>) dst(%dma_wait3A_164 : memref<128x128xf32, #tpu.memory_space<vmem>>)
              %dma_wait3A_170 = arith.constant 128 : i32
              %dma_wait3A_171 = arith.constant 0 : i32
              %dma_wait3A_172 = tpu.memref_slice %arg11[%dma_wait3A_170, %dma_wait3A_171] : memref<256x128xf32, #tpu.memory_space<vmem>> -> memref<128x128xf32, #tpu.memory_space<vmem>>
              %dma_wait3A_173 = arith.constant 128 : i32
              %dma_wait3A_174 = tpu.memref_slice %arg8[%dma_wait3A_173] : memref<256xi32, #tpu.memory_space<vmem>> -> memref<128xi32, #tpu.memory_space<vmem>>
              %dma_wait3A_175 = arith.constant 0 : i32
              %dma_wait3A_176 = arith.constant 0 : i32
              %dma_wait3A_177 = tpu.memref_slice %arg2[%dma_wait3A_175, %dma_wait3A_176] : memref<100000x128xf32, #tpu.memory_space<hbm>> -> memref<100000x128xf32, #tpu.memory_space<hbm>>
              tpu.wait_indirect_dma semaphore(%arg17 : memref<!tpu.dma_semaphore, #tpu.memory_space<semaphore_mem>>) src(%dma_wait3A_177 : memref<100000x128xf32, #tpu.memory_space<hbm>>) dst(%dma_wait3A_172 : memref<128x128xf32, #tpu.memory_space<vmem>>)
              %add3A_178 = arith.constant 2 : i32
              %add3A_179 = arith.addi %sub3A_132, %add3A_178 : i32
              %lt3A = arith.cmpi slt, %add3A_179, %select_n3A_20 : i32
              %convert_element_type3A_180 = arith.extui %lt3A : i1 to i32
              %cond3A_181 = arith.constant 0 : i32
              %cond3A_182 = arith.cmpi ne, %convert_element_type3A_180, %cond3A_181 : i32
              scf.if %cond3A_182 {
                %add3A_189 = arith.constant 2 : i32
                %add3A_190 = arith.addi %sub3A_132, %add3A_189 : i32
                %add3A_191 = arith.addi %shift_right_logical3A_13, %add3A_190 : i32
                %shift_left3A_192 = arith.constant 8 : i32
                %shift_left3A_193 = arith.shli %add3A_191, %shift_left3A_192 : i32
                %multiple_of3A_194 = tpu.assume_multiple %shift_left3A_193, 8 : i32
                %dma_wait3A_195 = tpu.memref_slice %arg3[%multiple_of3A_194] : memref<205056xi32, #tpu.memory_space<hbm>> -> memref<256xi32, #tpu.memory_space<hbm>>
                %dma_wait3A_196 = tpu.memref_slice %arg3[%multiple_of3A_194] : memref<205056xi32, #tpu.memory_space<hbm>> -> memref<256xi32, #tpu.memory_space<hbm>>
                tpu.wait_dma2 semaphore(%arg19 : memref<!tpu.dma_semaphore, #tpu.memory_space<semaphore_mem>>) src(%dma_wait3A_196 : memref<256xi32, #tpu.memory_space<hbm>>) dst(%arg7 : memref<256xi32, #tpu.memory_space<vmem>>)
                %dma_start3A = arith.constant 0 : i32
                %dma_start3A_197 = arith.constant 0 : i32
                %dma_start3A_198 = tpu.memref_slice %arg10[%dma_start3A, %dma_start3A_197] : memref<256x128xf32, #tpu.memory_space<vmem>> -> memref<128x128xf32, #tpu.memory_space<vmem>>
                %dma_start3A_199 = arith.constant 0 : i32
                %dma_start3A_200 = tpu.memref_slice %arg7[%dma_start3A_199] : memref<256xi32, #tpu.memory_space<vmem>> -> memref<128xi32, #tpu.memory_space<vmem>>
                %dma_start3A_201 = arith.constant 0 : i32
                %dma_start3A_202 = arith.constant 0 : i32
                %dma_start3A_203 = tpu.memref_slice %arg2[%dma_start3A_201, %dma_start3A_202] : memref<100000x128xf32, #tpu.memory_space<hbm>> -> memref<100000x128xf32, #tpu.memory_space<hbm>>
                tpu.enqueue_indirect_dma source(%dma_start3A_203 : memref<100000x128xf32, #tpu.memory_space<hbm>>) target(%dma_start3A_198 : memref<128x128xf32, #tpu.memory_space<vmem>>) offsets(%dma_start3A_200 : memref<128xi32, #tpu.memory_space<vmem>>) semaphore(%arg16 : memref<!tpu.dma_semaphore, #tpu.memory_space<semaphore_mem>>)
                %dma_start3A_204 = arith.constant 128 : i32
                %dma_start3A_205 = arith.constant 0 : i32
                %dma_start3A_206 = tpu.memref_slice %arg10[%dma_start3A_204, %dma_start3A_205] : memref<256x128xf32, #tpu.memory_space<vmem>> -> memref<128x128xf32, #tpu.memory_space<vmem>>
                %dma_start3A_207 = arith.constant 128 : i32
                %dma_start3A_208 = tpu.memref_slice %arg7[%dma_start3A_207] : memref<256xi32, #tpu.memory_space<vmem>> -> memref<128xi32, #tpu.memory_space<vmem>>
                %dma_start3A_209 = arith.constant 0 : i32
                %dma_start3A_210 = arith.constant 0 : i32
                %dma_start3A_211 = tpu.memref_slice %arg2[%dma_start3A_209, %dma_start3A_210] : memref<100000x128xf32, #tpu.memory_space<hbm>> -> memref<100000x128xf32, #tpu.memory_space<hbm>>
                tpu.enqueue_indirect_dma source(%dma_start3A_211 : memref<100000x128xf32, #tpu.memory_space<hbm>>) target(%dma_start3A_206 : memref<128x128xf32, #tpu.memory_space<vmem>>) offsets(%dma_start3A_208 : memref<128xi32, #tpu.memory_space<vmem>>) semaphore(%arg16 : memref<!tpu.dma_semaphore, #tpu.memory_space<semaphore_mem>>)
              } else {
              }
              %add3A_183 = arith.constant 3 : i32
              %add3A_184 = arith.addi %sub3A_132, %add3A_183 : i32
              %lt3A_185 = arith.cmpi slt, %add3A_184, %select_n3A_20 : i32
              %convert_element_type3A_186 = arith.extui %lt3A_185 : i1 to i32
              %cond3A_187 = arith.constant 0 : i32
              %cond3A_188 = arith.cmpi ne, %convert_element_type3A_186, %cond3A_187 : i32
              scf.if %cond3A_188 {
                %add3A_189 = arith.constant 3 : i32
                %add3A_190 = arith.addi %sub3A_132, %add3A_189 : i32
                %add3A_191 = arith.addi %shift_right_logical3A_13, %add3A_190 : i32
                %shift_left3A_192 = arith.constant 8 : i32
                %shift_left3A_193 = arith.shli %add3A_191, %shift_left3A_192 : i32
                %multiple_of3A_194 = tpu.assume_multiple %shift_left3A_193, 8 : i32
                %dma_start3A = tpu.memref_slice %arg3[%multiple_of3A_194] : memref<205056xi32, #tpu.memory_space<hbm>> -> memref<256xi32, #tpu.memory_space<hbm>>
                %dma_start3A_195 = tpu.memref_slice %arg3[%multiple_of3A_194] : memref<205056xi32, #tpu.memory_space<hbm>> -> memref<256xi32, #tpu.memory_space<hbm>>
                tpu.enqueue_dma source(%dma_start3A_195 : memref<256xi32, #tpu.memory_space<hbm>>) target(%arg8 : memref<256xi32, #tpu.memory_space<vmem>>) target_semaphore(%arg20 : memref<!tpu.dma_semaphore, #tpu.memory_space<semaphore_mem>>)
              } else {
              }
            }
          }
          scf.yield %while3A_122 : i32
        } else {
          scf.yield %while3A_123 : i32
        }
        %shift_left3A = arith.constant 8 : i32
        %shift_left3A_137 = arith.shli %while3A_122, %shift_left3A : i32
        %multiple_of3A_138 = tpu.assume_multiple %shift_left3A_137, 8 : i32
        %max3A_139 = arith.maxsi %get3A_55, %multiple_of3A_138 : i32
        %sub3A_140 = arith.subi %max3A_139, %multiple_of3A_138 : i32
        %add3A_141 = arith.constant 256 : i32
        %add3A_142 = arith.addi %multiple_of3A_138, %add3A_141 : i32
        %min3A = arith.minsi %get3A_59, %add3A_142 : i32
        %sub3A_143 = arith.subi %min3A, %multiple_of3A_138 : i32
        %rem3A = arith.constant 3 : i32
        %rem3A_144 = arith.remsi %sub3A_132, %rem3A : i32
        %eq3A = arith.constant 0 : i32
        %eq3A_145 = arith.cmpi eq, %rem3A_144, %eq3A : i32
        %convert_element_type3A_146 = arith.extui %eq3A_145 : i1 to i32
        %cond3A_147 = arith.constant 0 : i32
        %cond3A_148 = arith.cmpi ne, %convert_element_type3A_146, %cond3A_147 : i32
        %cond3A_149:8 = scf.if %cond3A_148 -> (vector<16xf32>, vector<16xf32>, vector<16xf32>, vector<16xf32>, vector<16xf32>, vector<16xf32>, vector<16xf32>, vector<16xf32>) {
          %while3A_150 = arith.subi %sub3A_143, %sub3A_140 : i32
          %while3A_151 = arith.addi %sub3A_140, %while3A_150 : i32
          %while3A_152 = arith.constant 1 : i32
          %while3A_153 = arith.divsi %while3A_150, %while3A_152 : i32
          %while3A_154 = arith.muli %while3A_153, %while3A_152 : i32
          %while3A_155 = arith.addi %sub3A_140, %while3A_154 : i32
          %while3A_156 = arith.constant 1 : i32
          %while3A_157:8 = scf.for %while3A_160 = %sub3A_140 to %while3A_155 step %while3A_156 iter_args(%while3A_161 = %while3A_124, %while3A_162 = %while3A_125, %while3A_163 = %while3A_126, %while3A_164 = %while3A_127, %while3A_165 = %while3A_128, %while3A_166 = %while3A_129, %while3A_167 = %while3A_130, %while3A_168 = %while3A_131) -> (vector<16xf32>, vector<16xf32>, vector<16xf32>, vector<16xf32>, vector<16xf32>, vector<16xf32>, vector<16xf32>, vector<16xf32>)  : i32 {
            %get3A_169 = arith.index_cast %while3A_160 : i32 to index
            %get3A_170 = arith.constant 0 : index
            %get3A_171 = tpu.vector_load %arg9[%get3A_169, %get3A_170] {strides = array<i32>} : memref<256x128xf32, #tpu.memory_space<vmem>>, vector<16xf32>,
            %add3A_172 = arith.addf %while3A_161, %get3A_171 : vector<16xf32>
            %get3A_173 = arith.index_cast %while3A_160 : i32 to index
            %get3A_174 = arith.constant 16 : index
            %get3A_175 = tpu.vector_load %arg9[%get3A_173, %get3A_174] {strides = array<i32>} : memref<256x128xf32, #tpu.memory_space<vmem>>, vector<16xf32>,
            %add3A_176 = arith.addf %while3A_162, %get3A_175 : vector<16xf32>
            %get3A_177 = arith.index_cast %while3A_160 : i32 to index
            %get3A_178 = arith.constant 32 : index
            %get3A_179 = tpu.vector_load %arg9[%get3A_177, %get3A_178] {strides = array<i32>} : memref<256x128xf32, #tpu.memory_space<vmem>>, vector<16xf32>,
            %add3A_180 = arith.addf %while3A_163, %get3A_179 : vector<16xf32>
            %get3A_181 = arith.index_cast %while3A_160 : i32 to index
            %get3A_182 = arith.constant 48 : index
            %get3A_183 = tpu.vector_load %arg9[%get3A_181, %get3A_182] {strides = array<i32>} : memref<256x128xf32, #tpu.memory_space<vmem>>, vector<16xf32>,
            %add3A_184 = arith.addf %while3A_164, %get3A_183 : vector<16xf32>
            %get3A_185 = arith.index_cast %while3A_160 : i32 to index
            %get3A_186 = arith.constant 64 : index
            %get3A_187 = tpu.vector_load %arg9[%get3A_185, %get3A_186] {strides = array<i32>} : memref<256x128xf32, #tpu.memory_space<vmem>>, vector<16xf32>,
            %add3A_188 = arith.addf %while3A_165, %get3A_187 : vector<16xf32>
            %get3A_189 = arith.index_cast %while3A_160 : i32 to index
            %get3A_190 = arith.constant 80 : index
            %get3A_191 = tpu.vector_load %arg9[%get3A_189, %get3A_190] {strides = array<i32>} : memref<256x128xf32, #tpu.memory_space<vmem>>, vector<16xf32>,
            %add3A_192 = arith.addf %while3A_166, %get3A_191 : vector<16xf32>
            %get3A_193 = arith.index_cast %while3A_160 : i32 to index
            %get3A_194 = arith.constant 96 : index
            %get3A_195 = tpu.vector_load %arg9[%get3A_193, %get3A_194] {strides = array<i32>} : memref<256x128xf32, #tpu.memory_space<vmem>>, vector<16xf32>,
            %add3A_196 = arith.addf %while3A_167, %get3A_195 : vector<16xf32>
            %get3A_197 = arith.index_cast %while3A_160 : i32 to index
            %get3A_198 = arith.constant 112 : index
            %get3A_199 = tpu.vector_load %arg9[%get3A_197, %get3A_198] {strides = array<i32>} : memref<256x128xf32, #tpu.memory_space<vmem>>, vector<16xf32>,
            %add3A_200 = arith.addf %while3A_168, %get3A_199 : vector<16xf32>
            scf.yield %add3A_172, %add3A_176, %add3A_180, %add3A_184, %add3A_188, %add3A_192, %add3A_196, %add3A_200 : vector<16xf32>, vector<16xf32>, vector<16xf32>, vector<16xf32>, vector<16xf32>, vector<16xf32>, vector<16xf32>, vector<16xf32>
          }
          %while3A_158 = arith.constant 1 : i32
          %while3A_159:8 = scf.for %while3A_160 = %while3A_155 to %while3A_151 step %while3A_158 iter_args(%while3A_161 = %while3A_157#0, %while3A_162 = %while3A_157#1, %while3A_163 = %while3A_157#2, %while3A_164 = %while3A_157#3, %while3A_165 = %while3A_157#4, %while3A_166 = %while3A_157#5, %while3A_167 = %while3A_157#6, %while3A_168 = %while3A_157#7) -> (vector<16xf32>, vector<16xf32>, vector<16xf32>, vector<16xf32>, vector<16xf32>, vector<16xf32>, vector<16xf32>, vector<16xf32>)  : i32 {
            %get3A_169 = arith.index_cast %while3A_160 : i32 to index
            %get3A_170 = arith.constant 0 : index
            %get3A_171 = tpu.vector_load %arg9[%get3A_169, %get3A_170] {strides = array<i32>} : memref<256x128xf32, #tpu.memory_space<vmem>>, vector<16xf32>,
            %add3A_172 = arith.addf %while3A_161, %get3A_171 : vector<16xf32>
            %get3A_173 = arith.index_cast %while3A_160 : i32 to index
            %get3A_174 = arith.constant 16 : index
            %get3A_175 = tpu.vector_load %arg9[%get3A_173, %get3A_174] {strides = array<i32>} : memref<256x128xf32, #tpu.memory_space<vmem>>, vector<16xf32>,
            %add3A_176 = arith.addf %while3A_162, %get3A_175 : vector<16xf32>
            %get3A_177 = arith.index_cast %while3A_160 : i32 to index
            %get3A_178 = arith.constant 32 : index
            %get3A_179 = tpu.vector_load %arg9[%get3A_177, %get3A_178] {strides = array<i32>} : memref<256x128xf32, #tpu.memory_space<vmem>>, vector<16xf32>,
            %add3A_180 = arith.addf %while3A_163, %get3A_179 : vector<16xf32>
            %get3A_181 = arith.index_cast %while3A_160 : i32 to index
            %get3A_182 = arith.constant 48 : index
            %get3A_183 = tpu.vector_load %arg9[%get3A_181, %get3A_182] {strides = array<i32>} : memref<256x128xf32, #tpu.memory_space<vmem>>, vector<16xf32>,
            %add3A_184 = arith.addf %while3A_164, %get3A_183 : vector<16xf32>
            %get3A_185 = arith.index_cast %while3A_160 : i32 to index
            %get3A_186 = arith.constant 64 : index
            %get3A_187 = tpu.vector_load %arg9[%get3A_185, %get3A_186] {strides = array<i32>} : memref<256x128xf32, #tpu.memory_space<vmem>>, vector<16xf32>,
            %add3A_188 = arith.addf %while3A_165, %get3A_187 : vector<16xf32>
            %get3A_189 = arith.index_cast %while3A_160 : i32 to index
            %get3A_190 = arith.constant 80 : index
            %get3A_191 = tpu.vector_load %arg9[%get3A_189, %get3A_190] {strides = array<i32>} : memref<256x128xf32, #tpu.memory_space<vmem>>, vector<16xf32>,
            %add3A_192 = arith.addf %while3A_166, %get3A_191 : vector<16xf32>
            %get3A_193 = arith.index_cast %while3A_160 : i32 to index
            %get3A_194 = arith.constant 96 : index
            %get3A_195 = tpu.vector_load %arg9[%get3A_193, %get3A_194] {strides = array<i32>} : memref<256x128xf32, #tpu.memory_space<vmem>>, vector<16xf32>,
            %add3A_196 = arith.addf %while3A_167, %get3A_195 : vector<16xf32>
            %get3A_197 = arith.index_cast %while3A_160 : i32 to index
            %get3A_198 = arith.constant 112 : index
            %get3A_199 = tpu.vector_load %arg9[%get3A_197, %get3A_198] {strides = array<i32>} : memref<256x128xf32, #tpu.memory_space<vmem>>, vector<16xf32>,
            %add3A_200 = arith.addf %while3A_168, %get3A_199 : vector<16xf32>
            scf.yield %add3A_172, %add3A_176, %add3A_180, %add3A_184, %add3A_188, %add3A_192, %add3A_196, %add3A_200 : vector<16xf32>, vector<16xf32>, vector<16xf32>, vector<16xf32>, vector<16xf32>, vector<16xf32>, vector<16xf32>, vector<16xf32>
          }
          scf.yield %while3A_159#0, %while3A_159#1, %while3A_159#2, %while3A_159#3, %while3A_159#4, %while3A_159#5, %while3A_159#6, %while3A_159#7 : vector<16xf32>, vector<16xf32>, vector<16xf32>, vector<16xf32>, vector<16xf32>, vector<16xf32>, vector<16xf32>, vector<16xf32>
        } else {
          %eq3A_150 = arith.constant 1 : i32
          %eq3A_151 = arith.cmpi eq, %rem3A_144, %eq3A_150 : i32
          %convert_element_type3A_152 = arith.extui %eq3A_151 : i1 to i32
          %cond3A_153 = arith.constant 0 : i32
          %cond3A_154 = arith.cmpi ne, %convert_element_type3A_152, %cond3A_153 : i32
          %cond3A_155:8 = scf.if %cond3A_154 -> (vector<16xf32>, vector<16xf32>, vector<16xf32>, vector<16xf32>, vector<16xf32>, vector<16xf32>, vector<16xf32>, vector<16xf32>) {
            %while3A_156 = arith.subi %sub3A_143, %sub3A_140 : i32
            %while3A_157 = arith.addi %sub3A_140, %while3A_156 : i32
            %while3A_158 = arith.constant 1 : i32
            %while3A_159 = arith.divsi %while3A_156, %while3A_158 : i32
            %while3A_160 = arith.muli %while3A_159, %while3A_158 : i32
            %while3A_161 = arith.addi %sub3A_140, %while3A_160 : i32
            %while3A_162 = arith.constant 1 : i32
            %while3A_163:8 = scf.for %while3A_166 = %sub3A_140 to %while3A_161 step %while3A_162 iter_args(%while3A_167 = %while3A_124, %while3A_168 = %while3A_125, %while3A_169 = %while3A_126, %while3A_170 = %while3A_127, %while3A_171 = %while3A_128, %while3A_172 = %while3A_129, %while3A_173 = %while3A_130, %while3A_174 = %while3A_131) -> (vector<16xf32>, vector<16xf32>, vector<16xf32>, vector<16xf32>, vector<16xf32>, vector<16xf32>, vector<16xf32>, vector<16xf32>)  : i32 {
              %get3A_175 = arith.index_cast %while3A_166 : i32 to index
              %get3A_176 = arith.constant 0 : index
              %get3A_177 = tpu.vector_load %arg10[%get3A_175, %get3A_176] {strides = array<i32>} : memref<256x128xf32, #tpu.memory_space<vmem>>, vector<16xf32>,
              %add3A_178 = arith.addf %while3A_167, %get3A_177 : vector<16xf32>
              %get3A_179 = arith.index_cast %while3A_166 : i32 to index
              %get3A_180 = arith.constant 16 : index
              %get3A_181 = tpu.vector_load %arg10[%get3A_179, %get3A_180] {strides = array<i32>} : memref<256x128xf32, #tpu.memory_space<vmem>>, vector<16xf32>,
              %add3A_182 = arith.addf %while3A_168, %get3A_181 : vector<16xf32>
              %get3A_183 = arith.index_cast %while3A_166 : i32 to index
              %get3A_184 = arith.constant 32 : index
              %get3A_185 = tpu.vector_load %arg10[%get3A_183, %get3A_184] {strides = array<i32>} : memref<256x128xf32, #tpu.memory_space<vmem>>, vector<16xf32>,
              %add3A_186 = arith.addf %while3A_169, %get3A_185 : vector<16xf32>
              %get3A_187 = arith.index_cast %while3A_166 : i32 to index
              %get3A_188 = arith.constant 48 : index
              %get3A_189 = tpu.vector_load %arg10[%get3A_187, %get3A_188] {strides = array<i32>} : memref<256x128xf32, #tpu.memory_space<vmem>>, vector<16xf32>,
              %add3A_190 = arith.addf %while3A_170, %get3A_189 : vector<16xf32>
              %get3A_191 = arith.index_cast %while3A_166 : i32 to index
              %get3A_192 = arith.constant 64 : index
              %get3A_193 = tpu.vector_load %arg10[%get3A_191, %get3A_192] {strides = array<i32>} : memref<256x128xf32, #tpu.memory_space<vmem>>, vector<16xf32>,
              %add3A_194 = arith.addf %while3A_171, %get3A_193 : vector<16xf32>
              %get3A_195 = arith.index_cast %while3A_166 : i32 to index
              %get3A_196 = arith.constant 80 : index
              %get3A_197 = tpu.vector_load %arg10[%get3A_195, %get3A_196] {strides = array<i32>} : memref<256x128xf32, #tpu.memory_space<vmem>>, vector<16xf32>,
              %add3A_198 = arith.addf %while3A_172, %get3A_197 : vector<16xf32>
              %get3A_199 = arith.index_cast %while3A_166 : i32 to index
              %get3A_200 = arith.constant 96 : index
              %get3A_201 = tpu.vector_load %arg10[%get3A_199, %get3A_200] {strides = array<i32>} : memref<256x128xf32, #tpu.memory_space<vmem>>, vector<16xf32>,
              %add3A_202 = arith.addf %while3A_173, %get3A_201 : vector<16xf32>
              %get3A_203 = arith.index_cast %while3A_166 : i32 to index
              %get3A_204 = arith.constant 112 : index
              %get3A_205 = tpu.vector_load %arg10[%get3A_203, %get3A_204] {strides = array<i32>} : memref<256x128xf32, #tpu.memory_space<vmem>>, vector<16xf32>,
              %add3A_206 = arith.addf %while3A_174, %get3A_205 : vector<16xf32>
              scf.yield %add3A_178, %add3A_182, %add3A_186, %add3A_190, %add3A_194, %add3A_198, %add3A_202, %add3A_206 : vector<16xf32>, vector<16xf32>, vector<16xf32>, vector<16xf32>, vector<16xf32>, vector<16xf32>, vector<16xf32>, vector<16xf32>
            }
            %while3A_164 = arith.constant 1 : i32
            %while3A_165:8 = scf.for %while3A_166 = %while3A_161 to %while3A_157 step %while3A_164 iter_args(%while3A_167 = %while3A_163#0, %while3A_168 = %while3A_163#1, %while3A_169 = %while3A_163#2, %while3A_170 = %while3A_163#3, %while3A_171 = %while3A_163#4, %while3A_172 = %while3A_163#5, %while3A_173 = %while3A_163#6, %while3A_174 = %while3A_163#7) -> (vector<16xf32>, vector<16xf32>, vector<16xf32>, vector<16xf32>, vector<16xf32>, vector<16xf32>, vector<16xf32>, vector<16xf32>)  : i32 {
              %get3A_175 = arith.index_cast %while3A_166 : i32 to index
              %get3A_176 = arith.constant 0 : index
              %get3A_177 = tpu.vector_load %arg10[%get3A_175, %get3A_176] {strides = array<i32>} : memref<256x128xf32, #tpu.memory_space<vmem>>, vector<16xf32>,
              %add3A_178 = arith.addf %while3A_167, %get3A_177 : vector<16xf32>
              %get3A_179 = arith.index_cast %while3A_166 : i32 to index
              %get3A_180 = arith.constant 16 : index
              %get3A_181 = tpu.vector_load %arg10[%get3A_179, %get3A_180] {strides = array<i32>} : memref<256x128xf32, #tpu.memory_space<vmem>>, vector<16xf32>,
              %add3A_182 = arith.addf %while3A_168, %get3A_181 : vector<16xf32>
              %get3A_183 = arith.index_cast %while3A_166 : i32 to index
              %get3A_184 = arith.constant 32 : index
              %get3A_185 = tpu.vector_load %arg10[%get3A_183, %get3A_184] {strides = array<i32>} : memref<256x128xf32, #tpu.memory_space<vmem>>, vector<16xf32>,
              %add3A_186 = arith.addf %while3A_169, %get3A_185 : vector<16xf32>
              %get3A_187 = arith.index_cast %while3A_166 : i32 to index
              %get3A_188 = arith.constant 48 : index
              %get3A_189 = tpu.vector_load %arg10[%get3A_187, %get3A_188] {strides = array<i32>} : memref<256x128xf32, #tpu.memory_space<vmem>>, vector<16xf32>,
              %add3A_190 = arith.addf %while3A_170, %get3A_189 : vector<16xf32>
              %get3A_191 = arith.index_cast %while3A_166 : i32 to index
              %get3A_192 = arith.constant 64 : index
              %get3A_193 = tpu.vector_load %arg10[%get3A_191, %get3A_192] {strides = array<i32>} : memref<256x128xf32, #tpu.memory_space<vmem>>, vector<16xf32>,
              %add3A_194 = arith.addf %while3A_171, %get3A_193 : vector<16xf32>
              %get3A_195 = arith.index_cast %while3A_166 : i32 to index
              %get3A_196 = arith.constant 80 : index
              %get3A_197 = tpu.vector_load %arg10[%get3A_195, %get3A_196] {strides = array<i32>} : memref<256x128xf32, #tpu.memory_space<vmem>>, vector<16xf32>,
              %add3A_198 = arith.addf %while3A_172, %get3A_197 : vector<16xf32>
              %get3A_199 = arith.index_cast %while3A_166 : i32 to index
              %get3A_200 = arith.constant 96 : index
              %get3A_201 = tpu.vector_load %arg10[%get3A_199, %get3A_200] {strides = array<i32>} : memref<256x128xf32, #tpu.memory_space<vmem>>, vector<16xf32>,
              %add3A_202 = arith.addf %while3A_173, %get3A_201 : vector<16xf32>
              %get3A_203 = arith.index_cast %while3A_166 : i32 to index
              %get3A_204 = arith.constant 112 : index
              %get3A_205 = tpu.vector_load %arg10[%get3A_203, %get3A_204] {strides = array<i32>} : memref<256x128xf32, #tpu.memory_space<vmem>>, vector<16xf32>,
              %add3A_206 = arith.addf %while3A_174, %get3A_205 : vector<16xf32>
              scf.yield %add3A_178, %add3A_182, %add3A_186, %add3A_190, %add3A_194, %add3A_198, %add3A_202, %add3A_206 : vector<16xf32>, vector<16xf32>, vector<16xf32>, vector<16xf32>, vector<16xf32>, vector<16xf32>, vector<16xf32>, vector<16xf32>
            }
            scf.yield %while3A_165#0, %while3A_165#1, %while3A_165#2, %while3A_165#3, %while3A_165#4, %while3A_165#5, %while3A_165#6, %while3A_165#7 : vector<16xf32>, vector<16xf32>, vector<16xf32>, vector<16xf32>, vector<16xf32>, vector<16xf32>, vector<16xf32>, vector<16xf32>
          } else {
            %while3A_156 = arith.subi %sub3A_143, %sub3A_140 : i32
            %while3A_157 = arith.addi %sub3A_140, %while3A_156 : i32
            %while3A_158 = arith.constant 1 : i32
            %while3A_159 = arith.divsi %while3A_156, %while3A_158 : i32
            %while3A_160 = arith.muli %while3A_159, %while3A_158 : i32
            %while3A_161 = arith.addi %sub3A_140, %while3A_160 : i32
            %while3A_162 = arith.constant 1 : i32
            %while3A_163:8 = scf.for %while3A_166 = %sub3A_140 to %while3A_161 step %while3A_162 iter_args(%while3A_167 = %while3A_124, %while3A_168 = %while3A_125, %while3A_169 = %while3A_126, %while3A_170 = %while3A_127, %while3A_171 = %while3A_128, %while3A_172 = %while3A_129, %while3A_173 = %while3A_130, %while3A_174 = %while3A_131) -> (vector<16xf32>, vector<16xf32>, vector<16xf32>, vector<16xf32>, vector<16xf32>, vector<16xf32>, vector<16xf32>, vector<16xf32>)  : i32 {
              %get3A_175 = arith.index_cast %while3A_166 : i32 to index
              %get3A_176 = arith.constant 0 : index
              %get3A_177 = tpu.vector_load %arg11[%get3A_175, %get3A_176] {strides = array<i32>} : memref<256x128xf32, #tpu.memory_space<vmem>>, vector<16xf32>,
              %add3A_178 = arith.addf %while3A_167, %get3A_177 : vector<16xf32>
              %get3A_179 = arith.index_cast %while3A_166 : i32 to index
              %get3A_180 = arith.constant 16 : index
              %get3A_181 = tpu.vector_load %arg11[%get3A_179, %get3A_180] {strides = array<i32>} : memref<256x128xf32, #tpu.memory_space<vmem>>, vector<16xf32>,
              %add3A_182 = arith.addf %while3A_168, %get3A_181 : vector<16xf32>
              %get3A_183 = arith.index_cast %while3A_166 : i32 to index
              %get3A_184 = arith.constant 32 : index
              %get3A_185 = tpu.vector_load %arg11[%get3A_183, %get3A_184] {strides = array<i32>} : memref<256x128xf32, #tpu.memory_space<vmem>>, vector<16xf32>,
              %add3A_186 = arith.addf %while3A_169, %get3A_185 : vector<16xf32>
              %get3A_187 = arith.index_cast %while3A_166 : i32 to index
              %get3A_188 = arith.constant 48 : index
              %get3A_189 = tpu.vector_load %arg11[%get3A_187, %get3A_188] {strides = array<i32>} : memref<256x128xf32, #tpu.memory_space<vmem>>, vector<16xf32>,
              %add3A_190 = arith.addf %while3A_170, %get3A_189 : vector<16xf32>
              %get3A_191 = arith.index_cast %while3A_166 : i32 to index
              %get3A_192 = arith.constant 64 : index
              %get3A_193 = tpu.vector_load %arg11[%get3A_191, %get3A_192] {strides = array<i32>} : memref<256x128xf32, #tpu.memory_space<vmem>>, vector<16xf32>,
              %add3A_194 = arith.addf %while3A_171, %get3A_193 : vector<16xf32>
              %get3A_195 = arith.index_cast %while3A_166 : i32 to index
              %get3A_196 = arith.constant 80 : index
              %get3A_197 = tpu.vector_load %arg11[%get3A_195, %get3A_196] {strides = array<i32>} : memref<256x128xf32, #tpu.memory_space<vmem>>, vector<16xf32>,
              %add3A_198 = arith.addf %while3A_172, %get3A_197 : vector<16xf32>
              %get3A_199 = arith.index_cast %while3A_166 : i32 to index
              %get3A_200 = arith.constant 96 : index
              %get3A_201 = tpu.vector_load %arg11[%get3A_199, %get3A_200] {strides = array<i32>} : memref<256x128xf32, #tpu.memory_space<vmem>>, vector<16xf32>,
              %add3A_202 = arith.addf %while3A_173, %get3A_201 : vector<16xf32>
              %get3A_203 = arith.index_cast %while3A_166 : i32 to index
              %get3A_204 = arith.constant 112 : index
              %get3A_205 = tpu.vector_load %arg11[%get3A_203, %get3A_204] {strides = array<i32>} : memref<256x128xf32, #tpu.memory_space<vmem>>, vector<16xf32>,
              %add3A_206 = arith.addf %while3A_174, %get3A_205 : vector<16xf32>
              scf.yield %add3A_178, %add3A_182, %add3A_186, %add3A_190, %add3A_194, %add3A_198, %add3A_202, %add3A_206 : vector<16xf32>, vector<16xf32>, vector<16xf32>, vector<16xf32>, vector<16xf32>, vector<16xf32>, vector<16xf32>, vector<16xf32>
            }
            %while3A_164 = arith.constant 1 : i32
            %while3A_165:8 = scf.for %while3A_166 = %while3A_161 to %while3A_157 step %while3A_164 iter_args(%while3A_167 = %while3A_163#0, %while3A_168 = %while3A_163#1, %while3A_169 = %while3A_163#2, %while3A_170 = %while3A_163#3, %while3A_171 = %while3A_163#4, %while3A_172 = %while3A_163#5, %while3A_173 = %while3A_163#6, %while3A_174 = %while3A_163#7) -> (vector<16xf32>, vector<16xf32>, vector<16xf32>, vector<16xf32>, vector<16xf32>, vector<16xf32>, vector<16xf32>, vector<16xf32>)  : i32 {
              %get3A_175 = arith.index_cast %while3A_166 : i32 to index
              %get3A_176 = arith.constant 0 : index
              %get3A_177 = tpu.vector_load %arg11[%get3A_175, %get3A_176] {strides = array<i32>} : memref<256x128xf32, #tpu.memory_space<vmem>>, vector<16xf32>,
              %add3A_178 = arith.addf %while3A_167, %get3A_177 : vector<16xf32>
              %get3A_179 = arith.index_cast %while3A_166 : i32 to index
              %get3A_180 = arith.constant 16 : index
              %get3A_181 = tpu.vector_load %arg11[%get3A_179, %get3A_180] {strides = array<i32>} : memref<256x128xf32, #tpu.memory_space<vmem>>, vector<16xf32>,
              %add3A_182 = arith.addf %while3A_168, %get3A_181 : vector<16xf32>
              %get3A_183 = arith.index_cast %while3A_166 : i32 to index
              %get3A_184 = arith.constant 32 : index
              %get3A_185 = tpu.vector_load %arg11[%get3A_183, %get3A_184] {strides = array<i32>} : memref<256x128xf32, #tpu.memory_space<vmem>>, vector<16xf32>,
              %add3A_186 = arith.addf %while3A_169, %get3A_185 : vector<16xf32>
              %get3A_187 = arith.index_cast %while3A_166 : i32 to index
              %get3A_188 = arith.constant 48 : index
              %get3A_189 = tpu.vector_load %arg11[%get3A_187, %get3A_188] {strides = array<i32>} : memref<256x128xf32, #tpu.memory_space<vmem>>, vector<16xf32>,
              %add3A_190 = arith.addf %while3A_170, %get3A_189 : vector<16xf32>
              %get3A_191 = arith.index_cast %while3A_166 : i32 to index
              %get3A_192 = arith.constant 64 : index
              %get3A_193 = tpu.vector_load %arg11[%get3A_191, %get3A_192] {strides = array<i32>} : memref<256x128xf32, #tpu.memory_space<vmem>>, vector<16xf32>,
              %add3A_194 = arith.addf %while3A_171, %get3A_193 : vector<16xf32>
              %get3A_195 = arith.index_cast %while3A_166 : i32 to index
              %get3A_196 = arith.constant 80 : index
              %get3A_197 = tpu.vector_load %arg11[%get3A_195, %get3A_196] {strides = array<i32>} : memref<256x128xf32, #tpu.memory_space<vmem>>, vector<16xf32>,
              %add3A_198 = arith.addf %while3A_172, %get3A_197 : vector<16xf32>
              %get3A_199 = arith.index_cast %while3A_166 : i32 to index
              %get3A_200 = arith.constant 96 : index
              %get3A_201 = tpu.vector_load %arg11[%get3A_199, %get3A_200] {strides = array<i32>} : memref<256x128xf32, #tpu.memory_space<vmem>>, vector<16xf32>,
              %add3A_202 = arith.addf %while3A_173, %get3A_201 : vector<16xf32>
              %get3A_203 = arith.index_cast %while3A_166 : i32 to index
              %get3A_204 = arith.constant 112 : index
              %get3A_205 = tpu.vector_load %arg11[%get3A_203, %get3A_204] {strides = array<i32>} : memref<256x128xf32, #tpu.memory_space<vmem>>, vector<16xf32>,
              %add3A_206 = arith.addf %while3A_174, %get3A_205 : vector<16xf32>
              scf.yield %add3A_178, %add3A_182, %add3A_186, %add3A_190, %add3A_194, %add3A_198, %add3A_202, %add3A_206 : vector<16xf32>, vector<16xf32>, vector<16xf32>, vector<16xf32>, vector<16xf32>, vector<16xf32>, vector<16xf32>, vector<16xf32>
            }
            scf.yield %while3A_165#0, %while3A_165#1, %while3A_165#2, %while3A_165#3, %while3A_165#4, %while3A_165#5, %while3A_165#6, %while3A_165#7 : vector<16xf32>, vector<16xf32>, vector<16xf32>, vector<16xf32>, vector<16xf32>, vector<16xf32>, vector<16xf32>, vector<16xf32>
          }
          scf.yield %cond3A_155#0, %cond3A_155#1, %cond3A_155#2, %cond3A_155#3, %cond3A_155#4, %cond3A_155#5, %cond3A_155#6, %cond3A_155#7 : vector<16xf32>, vector<16xf32>, vector<16xf32>, vector<16xf32>, vector<16xf32>, vector<16xf32>, vector<16xf32>, vector<16xf32>
        }
        scf.yield %cond3A_136, %cond3A_149#0, %cond3A_149#1, %cond3A_149#2, %cond3A_149#3, %cond3A_149#4, %cond3A_149#5, %cond3A_149#6, %cond3A_149#7 : i32, vector<16xf32>, vector<16xf32>, vector<16xf32>, vector<16xf32>, vector<16xf32>, vector<16xf32>, vector<16xf32>, vector<16xf32>
      }
      %while3A_82 = arith.constant 1 : i32
      %while3A_83:9 = scf.for %while3A_122 = %while3A_79 to %while3A_75 step %while3A_82 iter_args(%while3A_123 = %while3A_81#0, %while3A_124 = %while3A_81#1, %while3A_125 = %while3A_81#2, %while3A_126 = %while3A_81#3, %while3A_127 = %while3A_81#4, %while3A_128 = %while3A_81#5, %while3A_129 = %while3A_81#6, %while3A_130 = %while3A_81#7, %while3A_131 = %while3A_81#8) -> (i32, vector<16xf32>, vector<16xf32>, vector<16xf32>, vector<16xf32>, vector<16xf32>, vector<16xf32>, vector<16xf32>, vector<16xf32>)  : i32 {
        %sub3A_132 = arith.subi %while3A_122, %shift_right_logical3A_13 : i32
        %ne3A = arith.cmpi ne, %while3A_122, %while3A_123 : i32
        %convert_element_type3A_133 = arith.extui %ne3A : i1 to i32
        %cond3A_134 = arith.constant 0 : i32
        %cond3A_135 = arith.cmpi ne, %convert_element_type3A_133, %cond3A_134 : i32
        %cond3A_136 = scf.if %cond3A_135 -> (i32) {
          %rem3A_150 = arith.constant 3 : i32
          %rem3A_151 = arith.remsi %sub3A_132, %rem3A_150 : i32
          %eq3A_152 = arith.constant 0 : i32
          %eq3A_153 = arith.cmpi eq, %rem3A_151, %eq3A_152 : i32
          %convert_element_type3A_154 = arith.extui %eq3A_153 : i1 to i32
          %cond3A_155 = arith.constant 0 : i32
          %cond3A_156 = arith.constant 0 : i32
          %cond3A_157 = arith.cmpi ne, %convert_element_type3A_154, %cond3A_156 : i32
          scf.if %cond3A_157 {
            %dma_wait3A = arith.constant 0 : i32
            %dma_wait3A_158 = arith.constant 0 : i32
            %dma_wait3A_159 = tpu.memref_slice %arg9[%dma_wait3A, %dma_wait3A_158] : memref<256x128xf32, #tpu.memory_space<vmem>> -> memref<128x128xf32, #tpu.memory_space<vmem>>
            %dma_wait3A_160 = arith.constant 0 : i32
            %dma_wait3A_161 = tpu.memref_slice %arg6[%dma_wait3A_160] : memref<256xi32, #tpu.memory_space<vmem>> -> memref<128xi32, #tpu.memory_space<vmem>>
            %dma_wait3A_162 = arith.constant 0 : i32
            %dma_wait3A_163 = arith.constant 0 : i32
            %dma_wait3A_164 = tpu.memref_slice %arg2[%dma_wait3A_162, %dma_wait3A_163] : memref<100000x128xf32, #tpu.memory_space<hbm>> -> memref<100000x128xf32, #tpu.memory_space<hbm>>
            tpu.wait_indirect_dma semaphore(%arg15 : memref<!tpu.dma_semaphore, #tpu.memory_space<semaphore_mem>>) src(%dma_wait3A_164 : memref<100000x128xf32, #tpu.memory_space<hbm>>) dst(%dma_wait3A_159 : memref<128x128xf32, #tpu.memory_space<vmem>>)
            %dma_wait3A_165 = arith.constant 128 : i32
            %dma_wait3A_166 = arith.constant 0 : i32
            %dma_wait3A_167 = tpu.memref_slice %arg9[%dma_wait3A_165, %dma_wait3A_166] : memref<256x128xf32, #tpu.memory_space<vmem>> -> memref<128x128xf32, #tpu.memory_space<vmem>>
            %dma_wait3A_168 = arith.constant 128 : i32
            %dma_wait3A_169 = tpu.memref_slice %arg6[%dma_wait3A_168] : memref<256xi32, #tpu.memory_space<vmem>> -> memref<128xi32, #tpu.memory_space<vmem>>
            %dma_wait3A_170 = arith.constant 0 : i32
            %dma_wait3A_171 = arith.constant 0 : i32
            %dma_wait3A_172 = tpu.memref_slice %arg2[%dma_wait3A_170, %dma_wait3A_171] : memref<100000x128xf32, #tpu.memory_space<hbm>> -> memref<100000x128xf32, #tpu.memory_space<hbm>>
            tpu.wait_indirect_dma semaphore(%arg15 : memref<!tpu.dma_semaphore, #tpu.memory_space<semaphore_mem>>) src(%dma_wait3A_172 : memref<100000x128xf32, #tpu.memory_space<hbm>>) dst(%dma_wait3A_167 : memref<128x128xf32, #tpu.memory_space<vmem>>)
            %add3A_173 = arith.constant 2 : i32
            %add3A_174 = arith.addi %sub3A_132, %add3A_173 : i32
            %lt3A = arith.cmpi slt, %add3A_174, %select_n3A_20 : i32
            %convert_element_type3A_175 = arith.extui %lt3A : i1 to i32
            %cond3A_176 = arith.constant 0 : i32
            %cond3A_177 = arith.cmpi ne, %convert_element_type3A_175, %cond3A_176 : i32
            scf.if %cond3A_177 {
              %add3A_184 = arith.constant 2 : i32
              %add3A_185 = arith.addi %sub3A_132, %add3A_184 : i32
              %add3A_186 = arith.addi %shift_right_logical3A_13, %add3A_185 : i32
              %shift_left3A_187 = arith.constant 8 : i32
              %shift_left3A_188 = arith.shli %add3A_186, %shift_left3A_187 : i32
              %multiple_of3A_189 = tpu.assume_multiple %shift_left3A_188, 8 : i32
              %dma_wait3A_190 = tpu.memref_slice %arg3[%multiple_of3A_189] : memref<205056xi32, #tpu.memory_space<hbm>> -> memref<256xi32, #tpu.memory_space<hbm>>
              %dma_wait3A_191 = tpu.memref_slice %arg3[%multiple_of3A_189] : memref<205056xi32, #tpu.memory_space<hbm>> -> memref<256xi32, #tpu.memory_space<hbm>>
              tpu.wait_dma2 semaphore(%arg20 : memref<!tpu.dma_semaphore, #tpu.memory_space<semaphore_mem>>) src(%dma_wait3A_191 : memref<256xi32, #tpu.memory_space<hbm>>) dst(%arg8 : memref<256xi32, #tpu.memory_space<vmem>>)
              %dma_start3A = arith.constant 0 : i32
              %dma_start3A_192 = arith.constant 0 : i32
              %dma_start3A_193 = tpu.memref_slice %arg11[%dma_start3A, %dma_start3A_192] : memref<256x128xf32, #tpu.memory_space<vmem>> -> memref<128x128xf32, #tpu.memory_space<vmem>>
              %dma_start3A_194 = arith.constant 0 : i32
              %dma_start3A_195 = tpu.memref_slice %arg8[%dma_start3A_194] : memref<256xi32, #tpu.memory_space<vmem>> -> memref<128xi32, #tpu.memory_space<vmem>>
              %dma_start3A_196 = arith.constant 0 : i32
              %dma_start3A_197 = arith.constant 0 : i32
              %dma_start3A_198 = tpu.memref_slice %arg2[%dma_start3A_196, %dma_start3A_197] : memref<100000x128xf32, #tpu.memory_space<hbm>> -> memref<100000x128xf32, #tpu.memory_space<hbm>>
              tpu.enqueue_indirect_dma source(%dma_start3A_198 : memref<100000x128xf32, #tpu.memory_space<hbm>>) target(%dma_start3A_193 : memref<128x128xf32, #tpu.memory_space<vmem>>) offsets(%dma_start3A_195 : memref<128xi32, #tpu.memory_space<vmem>>) semaphore(%arg17 : memref<!tpu.dma_semaphore, #tpu.memory_space<semaphore_mem>>)
              %dma_start3A_199 = arith.constant 128 : i32
              %dma_start3A_200 = arith.constant 0 : i32
              %dma_start3A_201 = tpu.memref_slice %arg11[%dma_start3A_199, %dma_start3A_200] : memref<256x128xf32, #tpu.memory_space<vmem>> -> memref<128x128xf32, #tpu.memory_space<vmem>>
              %dma_start3A_202 = arith.constant 128 : i32
              %dma_start3A_203 = tpu.memref_slice %arg8[%dma_start3A_202] : memref<256xi32, #tpu.memory_space<vmem>> -> memref<128xi32, #tpu.memory_space<vmem>>
              %dma_start3A_204 = arith.constant 0 : i32
              %dma_start3A_205 = arith.constant 0 : i32
              %dma_start3A_206 = tpu.memref_slice %arg2[%dma_start3A_204, %dma_start3A_205] : memref<100000x128xf32, #tpu.memory_space<hbm>> -> memref<100000x128xf32, #tpu.memory_space<hbm>>
              tpu.enqueue_indirect_dma source(%dma_start3A_206 : memref<100000x128xf32, #tpu.memory_space<hbm>>) target(%dma_start3A_201 : memref<128x128xf32, #tpu.memory_space<vmem>>) offsets(%dma_start3A_203 : memref<128xi32, #tpu.memory_space<vmem>>) semaphore(%arg17 : memref<!tpu.dma_semaphore, #tpu.memory_space<semaphore_mem>>)
            } else {
            }
            %add3A_178 = arith.constant 3 : i32
            %add3A_179 = arith.addi %sub3A_132, %add3A_178 : i32
            %lt3A_180 = arith.cmpi slt, %add3A_179, %select_n3A_20 : i32
            %convert_element_type3A_181 = arith.extui %lt3A_180 : i1 to i32
            %cond3A_182 = arith.constant 0 : i32
            %cond3A_183 = arith.cmpi ne, %convert_element_type3A_181, %cond3A_182 : i32
            scf.if %cond3A_183 {
              %add3A_184 = arith.constant 3 : i32
              %add3A_185 = arith.addi %sub3A_132, %add3A_184 : i32
              %add3A_186 = arith.addi %shift_right_logical3A_13, %add3A_185 : i32
              %shift_left3A_187 = arith.constant 8 : i32
              %shift_left3A_188 = arith.shli %add3A_186, %shift_left3A_187 : i32
              %multiple_of3A_189 = tpu.assume_multiple %shift_left3A_188, 8 : i32
              %dma_start3A = tpu.memref_slice %arg3[%multiple_of3A_189] : memref<205056xi32, #tpu.memory_space<hbm>> -> memref<256xi32, #tpu.memory_space<hbm>>
              %dma_start3A_190 = tpu.memref_slice %arg3[%multiple_of3A_189] : memref<205056xi32, #tpu.memory_space<hbm>> -> memref<256xi32, #tpu.memory_space<hbm>>
              tpu.enqueue_dma source(%dma_start3A_190 : memref<256xi32, #tpu.memory_space<hbm>>) target(%arg6 : memref<256xi32, #tpu.memory_space<vmem>>) target_semaphore(%arg18 : memref<!tpu.dma_semaphore, #tpu.memory_space<semaphore_mem>>)
            } else {
            }
          } else {
            %eq3A_158 = arith.constant 1 : i32
            %eq3A_159 = arith.cmpi eq, %rem3A_151, %eq3A_158 : i32
            %convert_element_type3A_160 = arith.extui %eq3A_159 : i1 to i32
            %cond3A_161 = arith.constant 0 : i32
            %cond3A_162 = arith.cmpi ne, %convert_element_type3A_160, %cond3A_161 : i32
            scf.if %cond3A_162 {
              %dma_wait3A = arith.constant 0 : i32
              %dma_wait3A_163 = arith.constant 0 : i32
              %dma_wait3A_164 = tpu.memref_slice %arg10[%dma_wait3A, %dma_wait3A_163] : memref<256x128xf32, #tpu.memory_space<vmem>> -> memref<128x128xf32, #tpu.memory_space<vmem>>
              %dma_wait3A_165 = arith.constant 0 : i32
              %dma_wait3A_166 = tpu.memref_slice %arg7[%dma_wait3A_165] : memref<256xi32, #tpu.memory_space<vmem>> -> memref<128xi32, #tpu.memory_space<vmem>>
              %dma_wait3A_167 = arith.constant 0 : i32
              %dma_wait3A_168 = arith.constant 0 : i32
              %dma_wait3A_169 = tpu.memref_slice %arg2[%dma_wait3A_167, %dma_wait3A_168] : memref<100000x128xf32, #tpu.memory_space<hbm>> -> memref<100000x128xf32, #tpu.memory_space<hbm>>
              tpu.wait_indirect_dma semaphore(%arg16 : memref<!tpu.dma_semaphore, #tpu.memory_space<semaphore_mem>>) src(%dma_wait3A_169 : memref<100000x128xf32, #tpu.memory_space<hbm>>) dst(%dma_wait3A_164 : memref<128x128xf32, #tpu.memory_space<vmem>>)
              %dma_wait3A_170 = arith.constant 128 : i32
              %dma_wait3A_171 = arith.constant 0 : i32
              %dma_wait3A_172 = tpu.memref_slice %arg10[%dma_wait3A_170, %dma_wait3A_171] : memref<256x128xf32, #tpu.memory_space<vmem>> -> memref<128x128xf32, #tpu.memory_space<vmem>>
              %dma_wait3A_173 = arith.constant 128 : i32
              %dma_wait3A_174 = tpu.memref_slice %arg7[%dma_wait3A_173] : memref<256xi32, #tpu.memory_space<vmem>> -> memref<128xi32, #tpu.memory_space<vmem>>
              %dma_wait3A_175 = arith.constant 0 : i32
              %dma_wait3A_176 = arith.constant 0 : i32
              %dma_wait3A_177 = tpu.memref_slice %arg2[%dma_wait3A_175, %dma_wait3A_176] : memref<100000x128xf32, #tpu.memory_space<hbm>> -> memref<100000x128xf32, #tpu.memory_space<hbm>>
              tpu.wait_indirect_dma semaphore(%arg16 : memref<!tpu.dma_semaphore, #tpu.memory_space<semaphore_mem>>) src(%dma_wait3A_177 : memref<100000x128xf32, #tpu.memory_space<hbm>>) dst(%dma_wait3A_172 : memref<128x128xf32, #tpu.memory_space<vmem>>)
              %add3A_178 = arith.constant 2 : i32
              %add3A_179 = arith.addi %sub3A_132, %add3A_178 : i32
              %lt3A = arith.cmpi slt, %add3A_179, %select_n3A_20 : i32
              %convert_element_type3A_180 = arith.extui %lt3A : i1 to i32
              %cond3A_181 = arith.constant 0 : i32
              %cond3A_182 = arith.cmpi ne, %convert_element_type3A_180, %cond3A_181 : i32
              scf.if %cond3A_182 {
                %add3A_189 = arith.constant 2 : i32
                %add3A_190 = arith.addi %sub3A_132, %add3A_189 : i32
                %add3A_191 = arith.addi %shift_right_logical3A_13, %add3A_190 : i32
                %shift_left3A_192 = arith.constant 8 : i32
                %shift_left3A_193 = arith.shli %add3A_191, %shift_left3A_192 : i32
                %multiple_of3A_194 = tpu.assume_multiple %shift_left3A_193, 8 : i32
                %dma_wait3A_195 = tpu.memref_slice %arg3[%multiple_of3A_194] : memref<205056xi32, #tpu.memory_space<hbm>> -> memref<256xi32, #tpu.memory_space<hbm>>
                %dma_wait3A_196 = tpu.memref_slice %arg3[%multiple_of3A_194] : memref<205056xi32, #tpu.memory_space<hbm>> -> memref<256xi32, #tpu.memory_space<hbm>>
                tpu.wait_dma2 semaphore(%arg18 : memref<!tpu.dma_semaphore, #tpu.memory_space<semaphore_mem>>) src(%dma_wait3A_196 : memref<256xi32, #tpu.memory_space<hbm>>) dst(%arg6 : memref<256xi32, #tpu.memory_space<vmem>>)
                %dma_start3A = arith.constant 0 : i32
                %dma_start3A_197 = arith.constant 0 : i32
                %dma_start3A_198 = tpu.memref_slice %arg9[%dma_start3A, %dma_start3A_197] : memref<256x128xf32, #tpu.memory_space<vmem>> -> memref<128x128xf32, #tpu.memory_space<vmem>>
                %dma_start3A_199 = arith.constant 0 : i32
                %dma_start3A_200 = tpu.memref_slice %arg6[%dma_start3A_199] : memref<256xi32, #tpu.memory_space<vmem>> -> memref<128xi32, #tpu.memory_space<vmem>>
                %dma_start3A_201 = arith.constant 0 : i32
                %dma_start3A_202 = arith.constant 0 : i32
                %dma_start3A_203 = tpu.memref_slice %arg2[%dma_start3A_201, %dma_start3A_202] : memref<100000x128xf32, #tpu.memory_space<hbm>> -> memref<100000x128xf32, #tpu.memory_space<hbm>>
                tpu.enqueue_indirect_dma source(%dma_start3A_203 : memref<100000x128xf32, #tpu.memory_space<hbm>>) target(%dma_start3A_198 : memref<128x128xf32, #tpu.memory_space<vmem>>) offsets(%dma_start3A_200 : memref<128xi32, #tpu.memory_space<vmem>>) semaphore(%arg15 : memref<!tpu.dma_semaphore, #tpu.memory_space<semaphore_mem>>)
                %dma_start3A_204 = arith.constant 128 : i32
                %dma_start3A_205 = arith.constant 0 : i32
                %dma_start3A_206 = tpu.memref_slice %arg9[%dma_start3A_204, %dma_start3A_205] : memref<256x128xf32, #tpu.memory_space<vmem>> -> memref<128x128xf32, #tpu.memory_space<vmem>>
                %dma_start3A_207 = arith.constant 128 : i32
                %dma_start3A_208 = tpu.memref_slice %arg6[%dma_start3A_207] : memref<256xi32, #tpu.memory_space<vmem>> -> memref<128xi32, #tpu.memory_space<vmem>>
                %dma_start3A_209 = arith.constant 0 : i32
                %dma_start3A_210 = arith.constant 0 : i32
                %dma_start3A_211 = tpu.memref_slice %arg2[%dma_start3A_209, %dma_start3A_210] : memref<100000x128xf32, #tpu.memory_space<hbm>> -> memref<100000x128xf32, #tpu.memory_space<hbm>>
                tpu.enqueue_indirect_dma source(%dma_start3A_211 : memref<100000x128xf32, #tpu.memory_space<hbm>>) target(%dma_start3A_206 : memref<128x128xf32, #tpu.memory_space<vmem>>) offsets(%dma_start3A_208 : memref<128xi32, #tpu.memory_space<vmem>>) semaphore(%arg15 : memref<!tpu.dma_semaphore, #tpu.memory_space<semaphore_mem>>)
              } else {
              }
              %add3A_183 = arith.constant 3 : i32
              %add3A_184 = arith.addi %sub3A_132, %add3A_183 : i32
              %lt3A_185 = arith.cmpi slt, %add3A_184, %select_n3A_20 : i32
              %convert_element_type3A_186 = arith.extui %lt3A_185 : i1 to i32
              %cond3A_187 = arith.constant 0 : i32
              %cond3A_188 = arith.cmpi ne, %convert_element_type3A_186, %cond3A_187 : i32
              scf.if %cond3A_188 {
                %add3A_189 = arith.constant 3 : i32
                %add3A_190 = arith.addi %sub3A_132, %add3A_189 : i32
                %add3A_191 = arith.addi %shift_right_logical3A_13, %add3A_190 : i32
                %shift_left3A_192 = arith.constant 8 : i32
                %shift_left3A_193 = arith.shli %add3A_191, %shift_left3A_192 : i32
                %multiple_of3A_194 = tpu.assume_multiple %shift_left3A_193, 8 : i32
                %dma_start3A = tpu.memref_slice %arg3[%multiple_of3A_194] : memref<205056xi32, #tpu.memory_space<hbm>> -> memref<256xi32, #tpu.memory_space<hbm>>
                %dma_start3A_195 = tpu.memref_slice %arg3[%multiple_of3A_194] : memref<205056xi32, #tpu.memory_space<hbm>> -> memref<256xi32, #tpu.memory_space<hbm>>
                tpu.enqueue_dma source(%dma_start3A_195 : memref<256xi32, #tpu.memory_space<hbm>>) target(%arg7 : memref<256xi32, #tpu.memory_space<vmem>>) target_semaphore(%arg19 : memref<!tpu.dma_semaphore, #tpu.memory_space<semaphore_mem>>)
              } else {
              }
            } else {
              %dma_wait3A = arith.constant 0 : i32
              %dma_wait3A_163 = arith.constant 0 : i32
              %dma_wait3A_164 = tpu.memref_slice %arg11[%dma_wait3A, %dma_wait3A_163] : memref<256x128xf32, #tpu.memory_space<vmem>> -> memref<128x128xf32, #tpu.memory_space<vmem>>
              %dma_wait3A_165 = arith.constant 0 : i32
              %dma_wait3A_166 = tpu.memref_slice %arg8[%dma_wait3A_165] : memref<256xi32, #tpu.memory_space<vmem>> -> memref<128xi32, #tpu.memory_space<vmem>>
              %dma_wait3A_167 = arith.constant 0 : i32
              %dma_wait3A_168 = arith.constant 0 : i32
              %dma_wait3A_169 = tpu.memref_slice %arg2[%dma_wait3A_167, %dma_wait3A_168] : memref<100000x128xf32, #tpu.memory_space<hbm>> -> memref<100000x128xf32, #tpu.memory_space<hbm>>
              tpu.wait_indirect_dma semaphore(%arg17 : memref<!tpu.dma_semaphore, #tpu.memory_space<semaphore_mem>>) src(%dma_wait3A_169 : memref<100000x128xf32, #tpu.memory_space<hbm>>) dst(%dma_wait3A_164 : memref<128x128xf32, #tpu.memory_space<vmem>>)
              %dma_wait3A_170 = arith.constant 128 : i32
              %dma_wait3A_171 = arith.constant 0 : i32
              %dma_wait3A_172 = tpu.memref_slice %arg11[%dma_wait3A_170, %dma_wait3A_171] : memref<256x128xf32, #tpu.memory_space<vmem>> -> memref<128x128xf32, #tpu.memory_space<vmem>>
              %dma_wait3A_173 = arith.constant 128 : i32
              %dma_wait3A_174 = tpu.memref_slice %arg8[%dma_wait3A_173] : memref<256xi32, #tpu.memory_space<vmem>> -> memref<128xi32, #tpu.memory_space<vmem>>
              %dma_wait3A_175 = arith.constant 0 : i32
              %dma_wait3A_176 = arith.constant 0 : i32
              %dma_wait3A_177 = tpu.memref_slice %arg2[%dma_wait3A_175, %dma_wait3A_176] : memref<100000x128xf32, #tpu.memory_space<hbm>> -> memref<100000x128xf32, #tpu.memory_space<hbm>>
              tpu.wait_indirect_dma semaphore(%arg17 : memref<!tpu.dma_semaphore, #tpu.memory_space<semaphore_mem>>) src(%dma_wait3A_177 : memref<100000x128xf32, #tpu.memory_space<hbm>>) dst(%dma_wait3A_172 : memref<128x128xf32, #tpu.memory_space<vmem>>)
              %add3A_178 = arith.constant 2 : i32
              %add3A_179 = arith.addi %sub3A_132, %add3A_178 : i32
              %lt3A = arith.cmpi slt, %add3A_179, %select_n3A_20 : i32
              %convert_element_type3A_180 = arith.extui %lt3A : i1 to i32
              %cond3A_181 = arith.constant 0 : i32
              %cond3A_182 = arith.cmpi ne, %convert_element_type3A_180, %cond3A_181 : i32
              scf.if %cond3A_182 {
                %add3A_189 = arith.constant 2 : i32
                %add3A_190 = arith.addi %sub3A_132, %add3A_189 : i32
                %add3A_191 = arith.addi %shift_right_logical3A_13, %add3A_190 : i32
                %shift_left3A_192 = arith.constant 8 : i32
                %shift_left3A_193 = arith.shli %add3A_191, %shift_left3A_192 : i32
                %multiple_of3A_194 = tpu.assume_multiple %shift_left3A_193, 8 : i32
                %dma_wait3A_195 = tpu.memref_slice %arg3[%multiple_of3A_194] : memref<205056xi32, #tpu.memory_space<hbm>> -> memref<256xi32, #tpu.memory_space<hbm>>
                %dma_wait3A_196 = tpu.memref_slice %arg3[%multiple_of3A_194] : memref<205056xi32, #tpu.memory_space<hbm>> -> memref<256xi32, #tpu.memory_space<hbm>>
                tpu.wait_dma2 semaphore(%arg19 : memref<!tpu.dma_semaphore, #tpu.memory_space<semaphore_mem>>) src(%dma_wait3A_196 : memref<256xi32, #tpu.memory_space<hbm>>) dst(%arg7 : memref<256xi32, #tpu.memory_space<vmem>>)
                %dma_start3A = arith.constant 0 : i32
                %dma_start3A_197 = arith.constant 0 : i32
                %dma_start3A_198 = tpu.memref_slice %arg10[%dma_start3A, %dma_start3A_197] : memref<256x128xf32, #tpu.memory_space<vmem>> -> memref<128x128xf32, #tpu.memory_space<vmem>>
                %dma_start3A_199 = arith.constant 0 : i32
                %dma_start3A_200 = tpu.memref_slice %arg7[%dma_start3A_199] : memref<256xi32, #tpu.memory_space<vmem>> -> memref<128xi32, #tpu.memory_space<vmem>>
                %dma_start3A_201 = arith.constant 0 : i32
                %dma_start3A_202 = arith.constant 0 : i32
                %dma_start3A_203 = tpu.memref_slice %arg2[%dma_start3A_201, %dma_start3A_202] : memref<100000x128xf32, #tpu.memory_space<hbm>> -> memref<100000x128xf32, #tpu.memory_space<hbm>>
                tpu.enqueue_indirect_dma source(%dma_start3A_203 : memref<100000x128xf32, #tpu.memory_space<hbm>>) target(%dma_start3A_198 : memref<128x128xf32, #tpu.memory_space<vmem>>) offsets(%dma_start3A_200 : memref<128xi32, #tpu.memory_space<vmem>>) semaphore(%arg16 : memref<!tpu.dma_semaphore, #tpu.memory_space<semaphore_mem>>)
                %dma_start3A_204 = arith.constant 128 : i32
                %dma_start3A_205 = arith.constant 0 : i32
                %dma_start3A_206 = tpu.memref_slice %arg10[%dma_start3A_204, %dma_start3A_205] : memref<256x128xf32, #tpu.memory_space<vmem>> -> memref<128x128xf32, #tpu.memory_space<vmem>>
                %dma_start3A_207 = arith.constant 128 : i32
                %dma_start3A_208 = tpu.memref_slice %arg7[%dma_start3A_207] : memref<256xi32, #tpu.memory_space<vmem>> -> memref<128xi32, #tpu.memory_space<vmem>>
                %dma_start3A_209 = arith.constant 0 : i32
                %dma_start3A_210 = arith.constant 0 : i32
                %dma_start3A_211 = tpu.memref_slice %arg2[%dma_start3A_209, %dma_start3A_210] : memref<100000x128xf32, #tpu.memory_space<hbm>> -> memref<100000x128xf32, #tpu.memory_space<hbm>>
                tpu.enqueue_indirect_dma source(%dma_start3A_211 : memref<100000x128xf32, #tpu.memory_space<hbm>>) target(%dma_start3A_206 : memref<128x128xf32, #tpu.memory_space<vmem>>) offsets(%dma_start3A_208 : memref<128xi32, #tpu.memory_space<vmem>>) semaphore(%arg16 : memref<!tpu.dma_semaphore, #tpu.memory_space<semaphore_mem>>)
              } else {
              }
              %add3A_183 = arith.constant 3 : i32
              %add3A_184 = arith.addi %sub3A_132, %add3A_183 : i32
              %lt3A_185 = arith.cmpi slt, %add3A_184, %select_n3A_20 : i32
              %convert_element_type3A_186 = arith.extui %lt3A_185 : i1 to i32
              %cond3A_187 = arith.constant 0 : i32
              %cond3A_188 = arith.cmpi ne, %convert_element_type3A_186, %cond3A_187 : i32
              scf.if %cond3A_188 {
                %add3A_189 = arith.constant 3 : i32
                %add3A_190 = arith.addi %sub3A_132, %add3A_189 : i32
                %add3A_191 = arith.addi %shift_right_logical3A_13, %add3A_190 : i32
                %shift_left3A_192 = arith.constant 8 : i32
                %shift_left3A_193 = arith.shli %add3A_191, %shift_left3A_192 : i32
                %multiple_of3A_194 = tpu.assume_multiple %shift_left3A_193, 8 : i32
                %dma_start3A = tpu.memref_slice %arg3[%multiple_of3A_194] : memref<205056xi32, #tpu.memory_space<hbm>> -> memref<256xi32, #tpu.memory_space<hbm>>
                %dma_start3A_195 = tpu.memref_slice %arg3[%multiple_of3A_194] : memref<205056xi32, #tpu.memory_space<hbm>> -> memref<256xi32, #tpu.memory_space<hbm>>
                tpu.enqueue_dma source(%dma_start3A_195 : memref<256xi32, #tpu.memory_space<hbm>>) target(%arg8 : memref<256xi32, #tpu.memory_space<vmem>>) target_semaphore(%arg20 : memref<!tpu.dma_semaphore, #tpu.memory_space<semaphore_mem>>)
              } else {
              }
            }
          }
          scf.yield %while3A_122 : i32
        } else {
          scf.yield %while3A_123 : i32
        }
        %shift_left3A = arith.constant 8 : i32
        %shift_left3A_137 = arith.shli %while3A_122, %shift_left3A : i32
        %multiple_of3A_138 = tpu.assume_multiple %shift_left3A_137, 8 : i32
        %max3A_139 = arith.maxsi %get3A_55, %multiple_of3A_138 : i32
        %sub3A_140 = arith.subi %max3A_139, %multiple_of3A_138 : i32
        %add3A_141 = arith.constant 256 : i32
        %add3A_142 = arith.addi %multiple_of3A_138, %add3A_141 : i32
        %min3A = arith.minsi %get3A_59, %add3A_142 : i32
        %sub3A_143 = arith.subi %min3A, %multiple_of3A_138 : i32
        %rem3A = arith.constant 3 : i32
        %rem3A_144 = arith.remsi %sub3A_132, %rem3A : i32
        %eq3A = arith.constant 0 : i32
        %eq3A_145 = arith.cmpi eq, %rem3A_144, %eq3A : i32
        %convert_element_type3A_146 = arith.extui %eq3A_145 : i1 to i32
        %cond3A_147 = arith.constant 0 : i32
        %cond3A_148 = arith.cmpi ne, %convert_element_type3A_146, %cond3A_147 : i32
        %cond3A_149:8 = scf.if %cond3A_148 -> (vector<16xf32>, vector<16xf32>, vector<16xf32>, vector<16xf32>, vector<16xf32>, vector<16xf32>, vector<16xf32>, vector<16xf32>) {
          %while3A_150 = arith.subi %sub3A_143, %sub3A_140 : i32
          %while3A_151 = arith.addi %sub3A_140, %while3A_150 : i32
          %while3A_152 = arith.constant 1 : i32
          %while3A_153 = arith.divsi %while3A_150, %while3A_152 : i32
          %while3A_154 = arith.muli %while3A_153, %while3A_152 : i32
          %while3A_155 = arith.addi %sub3A_140, %while3A_154 : i32
          %while3A_156 = arith.constant 1 : i32
          %while3A_157:8 = scf.for %while3A_160 = %sub3A_140 to %while3A_155 step %while3A_156 iter_args(%while3A_161 = %while3A_124, %while3A_162 = %while3A_125, %while3A_163 = %while3A_126, %while3A_164 = %while3A_127, %while3A_165 = %while3A_128, %while3A_166 = %while3A_129, %while3A_167 = %while3A_130, %while3A_168 = %while3A_131) -> (vector<16xf32>, vector<16xf32>, vector<16xf32>, vector<16xf32>, vector<16xf32>, vector<16xf32>, vector<16xf32>, vector<16xf32>)  : i32 {
            %get3A_169 = arith.index_cast %while3A_160 : i32 to index
            %get3A_170 = arith.constant 0 : index
            %get3A_171 = tpu.vector_load %arg9[%get3A_169, %get3A_170] {strides = array<i32>} : memref<256x128xf32, #tpu.memory_space<vmem>>, vector<16xf32>,
            %add3A_172 = arith.addf %while3A_161, %get3A_171 : vector<16xf32>
            %get3A_173 = arith.index_cast %while3A_160 : i32 to index
            %get3A_174 = arith.constant 16 : index
            %get3A_175 = tpu.vector_load %arg9[%get3A_173, %get3A_174] {strides = array<i32>} : memref<256x128xf32, #tpu.memory_space<vmem>>, vector<16xf32>,
            %add3A_176 = arith.addf %while3A_162, %get3A_175 : vector<16xf32>
            %get3A_177 = arith.index_cast %while3A_160 : i32 to index
            %get3A_178 = arith.constant 32 : index
            %get3A_179 = tpu.vector_load %arg9[%get3A_177, %get3A_178] {strides = array<i32>} : memref<256x128xf32, #tpu.memory_space<vmem>>, vector<16xf32>,
            %add3A_180 = arith.addf %while3A_163, %get3A_179 : vector<16xf32>
            %get3A_181 = arith.index_cast %while3A_160 : i32 to index
            %get3A_182 = arith.constant 48 : index
            %get3A_183 = tpu.vector_load %arg9[%get3A_181, %get3A_182] {strides = array<i32>} : memref<256x128xf32, #tpu.memory_space<vmem>>, vector<16xf32>,
            %add3A_184 = arith.addf %while3A_164, %get3A_183 : vector<16xf32>
            %get3A_185 = arith.index_cast %while3A_160 : i32 to index
            %get3A_186 = arith.constant 64 : index
            %get3A_187 = tpu.vector_load %arg9[%get3A_185, %get3A_186] {strides = array<i32>} : memref<256x128xf32, #tpu.memory_space<vmem>>, vector<16xf32>,
            %add3A_188 = arith.addf %while3A_165, %get3A_187 : vector<16xf32>
            %get3A_189 = arith.index_cast %while3A_160 : i32 to index
            %get3A_190 = arith.constant 80 : index
            %get3A_191 = tpu.vector_load %arg9[%get3A_189, %get3A_190] {strides = array<i32>} : memref<256x128xf32, #tpu.memory_space<vmem>>, vector<16xf32>,
            %add3A_192 = arith.addf %while3A_166, %get3A_191 : vector<16xf32>
            %get3A_193 = arith.index_cast %while3A_160 : i32 to index
            %get3A_194 = arith.constant 96 : index
            %get3A_195 = tpu.vector_load %arg9[%get3A_193, %get3A_194] {strides = array<i32>} : memref<256x128xf32, #tpu.memory_space<vmem>>, vector<16xf32>,
            %add3A_196 = arith.addf %while3A_167, %get3A_195 : vector<16xf32>
            %get3A_197 = arith.index_cast %while3A_160 : i32 to index
            %get3A_198 = arith.constant 112 : index
            %get3A_199 = tpu.vector_load %arg9[%get3A_197, %get3A_198] {strides = array<i32>} : memref<256x128xf32, #tpu.memory_space<vmem>>, vector<16xf32>,
            %add3A_200 = arith.addf %while3A_168, %get3A_199 : vector<16xf32>
            scf.yield %add3A_172, %add3A_176, %add3A_180, %add3A_184, %add3A_188, %add3A_192, %add3A_196, %add3A_200 : vector<16xf32>, vector<16xf32>, vector<16xf32>, vector<16xf32>, vector<16xf32>, vector<16xf32>, vector<16xf32>, vector<16xf32>
          }
          %while3A_158 = arith.constant 1 : i32
          %while3A_159:8 = scf.for %while3A_160 = %while3A_155 to %while3A_151 step %while3A_158 iter_args(%while3A_161 = %while3A_157#0, %while3A_162 = %while3A_157#1, %while3A_163 = %while3A_157#2, %while3A_164 = %while3A_157#3, %while3A_165 = %while3A_157#4, %while3A_166 = %while3A_157#5, %while3A_167 = %while3A_157#6, %while3A_168 = %while3A_157#7) -> (vector<16xf32>, vector<16xf32>, vector<16xf32>, vector<16xf32>, vector<16xf32>, vector<16xf32>, vector<16xf32>, vector<16xf32>)  : i32 {
            %get3A_169 = arith.index_cast %while3A_160 : i32 to index
            %get3A_170 = arith.constant 0 : index
            %get3A_171 = tpu.vector_load %arg9[%get3A_169, %get3A_170] {strides = array<i32>} : memref<256x128xf32, #tpu.memory_space<vmem>>, vector<16xf32>,
            %add3A_172 = arith.addf %while3A_161, %get3A_171 : vector<16xf32>
            %get3A_173 = arith.index_cast %while3A_160 : i32 to index
            %get3A_174 = arith.constant 16 : index
            %get3A_175 = tpu.vector_load %arg9[%get3A_173, %get3A_174] {strides = array<i32>} : memref<256x128xf32, #tpu.memory_space<vmem>>, vector<16xf32>,
            %add3A_176 = arith.addf %while3A_162, %get3A_175 : vector<16xf32>
            %get3A_177 = arith.index_cast %while3A_160 : i32 to index
            %get3A_178 = arith.constant 32 : index
            %get3A_179 = tpu.vector_load %arg9[%get3A_177, %get3A_178] {strides = array<i32>} : memref<256x128xf32, #tpu.memory_space<vmem>>, vector<16xf32>,
            %add3A_180 = arith.addf %while3A_163, %get3A_179 : vector<16xf32>
            %get3A_181 = arith.index_cast %while3A_160 : i32 to index
            %get3A_182 = arith.constant 48 : index
            %get3A_183 = tpu.vector_load %arg9[%get3A_181, %get3A_182] {strides = array<i32>} : memref<256x128xf32, #tpu.memory_space<vmem>>, vector<16xf32>,
            %add3A_184 = arith.addf %while3A_164, %get3A_183 : vector<16xf32>
            %get3A_185 = arith.index_cast %while3A_160 : i32 to index
            %get3A_186 = arith.constant 64 : index
            %get3A_187 = tpu.vector_load %arg9[%get3A_185, %get3A_186] {strides = array<i32>} : memref<256x128xf32, #tpu.memory_space<vmem>>, vector<16xf32>,
            %add3A_188 = arith.addf %while3A_165, %get3A_187 : vector<16xf32>
            %get3A_189 = arith.index_cast %while3A_160 : i32 to index
            %get3A_190 = arith.constant 80 : index
            %get3A_191 = tpu.vector_load %arg9[%get3A_189, %get3A_190] {strides = array<i32>} : memref<256x128xf32, #tpu.memory_space<vmem>>, vector<16xf32>,
            %add3A_192 = arith.addf %while3A_166, %get3A_191 : vector<16xf32>
            %get3A_193 = arith.index_cast %while3A_160 : i32 to index
            %get3A_194 = arith.constant 96 : index
            %get3A_195 = tpu.vector_load %arg9[%get3A_193, %get3A_194] {strides = array<i32>} : memref<256x128xf32, #tpu.memory_space<vmem>>, vector<16xf32>,
            %add3A_196 = arith.addf %while3A_167, %get3A_195 : vector<16xf32>
            %get3A_197 = arith.index_cast %while3A_160 : i32 to index
            %get3A_198 = arith.constant 112 : index
            %get3A_199 = tpu.vector_load %arg9[%get3A_197, %get3A_198] {strides = array<i32>} : memref<256x128xf32, #tpu.memory_space<vmem>>, vector<16xf32>,
            %add3A_200 = arith.addf %while3A_168, %get3A_199 : vector<16xf32>
            scf.yield %add3A_172, %add3A_176, %add3A_180, %add3A_184, %add3A_188, %add3A_192, %add3A_196, %add3A_200 : vector<16xf32>, vector<16xf32>, vector<16xf32>, vector<16xf32>, vector<16xf32>, vector<16xf32>, vector<16xf32>, vector<16xf32>
          }
          scf.yield %while3A_159#0, %while3A_159#1, %while3A_159#2, %while3A_159#3, %while3A_159#4, %while3A_159#5, %while3A_159#6, %while3A_159#7 : vector<16xf32>, vector<16xf32>, vector<16xf32>, vector<16xf32>, vector<16xf32>, vector<16xf32>, vector<16xf32>, vector<16xf32>
        } else {
          %eq3A_150 = arith.constant 1 : i32
          %eq3A_151 = arith.cmpi eq, %rem3A_144, %eq3A_150 : i32
          %convert_element_type3A_152 = arith.extui %eq3A_151 : i1 to i32
          %cond3A_153 = arith.constant 0 : i32
          %cond3A_154 = arith.cmpi ne, %convert_element_type3A_152, %cond3A_153 : i32
          %cond3A_155:8 = scf.if %cond3A_154 -> (vector<16xf32>, vector<16xf32>, vector<16xf32>, vector<16xf32>, vector<16xf32>, vector<16xf32>, vector<16xf32>, vector<16xf32>) {
            %while3A_156 = arith.subi %sub3A_143, %sub3A_140 : i32
            %while3A_157 = arith.addi %sub3A_140, %while3A_156 : i32
            %while3A_158 = arith.constant 1 : i32
            %while3A_159 = arith.divsi %while3A_156, %while3A_158 : i32
            %while3A_160 = arith.muli %while3A_159, %while3A_158 : i32
            %while3A_161 = arith.addi %sub3A_140, %while3A_160 : i32
            %while3A_162 = arith.constant 1 : i32
            %while3A_163:8 = scf.for %while3A_166 = %sub3A_140 to %while3A_161 step %while3A_162 iter_args(%while3A_167 = %while3A_124, %while3A_168 = %while3A_125, %while3A_169 = %while3A_126, %while3A_170 = %while3A_127, %while3A_171 = %while3A_128, %while3A_172 = %while3A_129, %while3A_173 = %while3A_130, %while3A_174 = %while3A_131) -> (vector<16xf32>, vector<16xf32>, vector<16xf32>, vector<16xf32>, vector<16xf32>, vector<16xf32>, vector<16xf32>, vector<16xf32>)  : i32 {
              %get3A_175 = arith.index_cast %while3A_166 : i32 to index
              %get3A_176 = arith.constant 0 : index
              %get3A_177 = tpu.vector_load %arg10[%get3A_175, %get3A_176] {strides = array<i32>} : memref<256x128xf32, #tpu.memory_space<vmem>>, vector<16xf32>,
              %add3A_178 = arith.addf %while3A_167, %get3A_177 : vector<16xf32>
              %get3A_179 = arith.index_cast %while3A_166 : i32 to index
              %get3A_180 = arith.constant 16 : index
              %get3A_181 = tpu.vector_load %arg10[%get3A_179, %get3A_180] {strides = array<i32>} : memref<256x128xf32, #tpu.memory_space<vmem>>, vector<16xf32>,
              %add3A_182 = arith.addf %while3A_168, %get3A_181 : vector<16xf32>
              %get3A_183 = arith.index_cast %while3A_166 : i32 to index
              %get3A_184 = arith.constant 32 : index
              %get3A_185 = tpu.vector_load %arg10[%get3A_183, %get3A_184] {strides = array<i32>} : memref<256x128xf32, #tpu.memory_space<vmem>>, vector<16xf32>,
              %add3A_186 = arith.addf %while3A_169, %get3A_185 : vector<16xf32>
              %get3A_187 = arith.index_cast %while3A_166 : i32 to index
              %get3A_188 = arith.constant 48 : index
              %get3A_189 = tpu.vector_load %arg10[%get3A_187, %get3A_188] {strides = array<i32>} : memref<256x128xf32, #tpu.memory_space<vmem>>, vector<16xf32>,
              %add3A_190 = arith.addf %while3A_170, %get3A_189 : vector<16xf32>
              %get3A_191 = arith.index_cast %while3A_166 : i32 to index
              %get3A_192 = arith.constant 64 : index
              %get3A_193 = tpu.vector_load %arg10[%get3A_191, %get3A_192] {strides = array<i32>} : memref<256x128xf32, #tpu.memory_space<vmem>>, vector<16xf32>,
              %add3A_194 = arith.addf %while3A_171, %get3A_193 : vector<16xf32>
              %get3A_195 = arith.index_cast %while3A_166 : i32 to index
              %get3A_196 = arith.constant 80 : index
              %get3A_197 = tpu.vector_load %arg10[%get3A_195, %get3A_196] {strides = array<i32>} : memref<256x128xf32, #tpu.memory_space<vmem>>, vector<16xf32>,
              %add3A_198 = arith.addf %while3A_172, %get3A_197 : vector<16xf32>
              %get3A_199 = arith.index_cast %while3A_166 : i32 to index
              %get3A_200 = arith.constant 96 : index
              %get3A_201 = tpu.vector_load %arg10[%get3A_199, %get3A_200] {strides = array<i32>} : memref<256x128xf32, #tpu.memory_space<vmem>>, vector<16xf32>,
              %add3A_202 = arith.addf %while3A_173, %get3A_201 : vector<16xf32>
              %get3A_203 = arith.index_cast %while3A_166 : i32 to index
              %get3A_204 = arith.constant 112 : index
              %get3A_205 = tpu.vector_load %arg10[%get3A_203, %get3A_204] {strides = array<i32>} : memref<256x128xf32, #tpu.memory_space<vmem>>, vector<16xf32>,
              %add3A_206 = arith.addf %while3A_174, %get3A_205 : vector<16xf32>
              scf.yield %add3A_178, %add3A_182, %add3A_186, %add3A_190, %add3A_194, %add3A_198, %add3A_202, %add3A_206 : vector<16xf32>, vector<16xf32>, vector<16xf32>, vector<16xf32>, vector<16xf32>, vector<16xf32>, vector<16xf32>, vector<16xf32>
            }
            %while3A_164 = arith.constant 1 : i32
            %while3A_165:8 = scf.for %while3A_166 = %while3A_161 to %while3A_157 step %while3A_164 iter_args(%while3A_167 = %while3A_163#0, %while3A_168 = %while3A_163#1, %while3A_169 = %while3A_163#2, %while3A_170 = %while3A_163#3, %while3A_171 = %while3A_163#4, %while3A_172 = %while3A_163#5, %while3A_173 = %while3A_163#6, %while3A_174 = %while3A_163#7) -> (vector<16xf32>, vector<16xf32>, vector<16xf32>, vector<16xf32>, vector<16xf32>, vector<16xf32>, vector<16xf32>, vector<16xf32>)  : i32 {
              %get3A_175 = arith.index_cast %while3A_166 : i32 to index
              %get3A_176 = arith.constant 0 : index
              %get3A_177 = tpu.vector_load %arg10[%get3A_175, %get3A_176] {strides = array<i32>} : memref<256x128xf32, #tpu.memory_space<vmem>>, vector<16xf32>,
              %add3A_178 = arith.addf %while3A_167, %get3A_177 : vector<16xf32>
              %get3A_179 = arith.index_cast %while3A_166 : i32 to index
              %get3A_180 = arith.constant 16 : index
              %get3A_181 = tpu.vector_load %arg10[%get3A_179, %get3A_180] {strides = array<i32>} : memref<256x128xf32, #tpu.memory_space<vmem>>, vector<16xf32>,
              %add3A_182 = arith.addf %while3A_168, %get3A_181 : vector<16xf32>
              %get3A_183 = arith.index_cast %while3A_166 : i32 to index
              %get3A_184 = arith.constant 32 : index
              %get3A_185 = tpu.vector_load %arg10[%get3A_183, %get3A_184] {strides = array<i32>} : memref<256x128xf32, #tpu.memory_space<vmem>>, vector<16xf32>,
              %add3A_186 = arith.addf %while3A_169, %get3A_185 : vector<16xf32>
              %get3A_187 = arith.index_cast %while3A_166 : i32 to index
              %get3A_188 = arith.constant 48 : index
              %get3A_189 = tpu.vector_load %arg10[%get3A_187, %get3A_188] {strides = array<i32>} : memref<256x128xf32, #tpu.memory_space<vmem>>, vector<16xf32>,
              %add3A_190 = arith.addf %while3A_170, %get3A_189 : vector<16xf32>
              %get3A_191 = arith.index_cast %while3A_166 : i32 to index
              %get3A_192 = arith.constant 64 : index
              %get3A_193 = tpu.vector_load %arg10[%get3A_191, %get3A_192] {strides = array<i32>} : memref<256x128xf32, #tpu.memory_space<vmem>>, vector<16xf32>,
              %add3A_194 = arith.addf %while3A_171, %get3A_193 : vector<16xf32>
              %get3A_195 = arith.index_cast %while3A_166 : i32 to index
              %get3A_196 = arith.constant 80 : index
              %get3A_197 = tpu.vector_load %arg10[%get3A_195, %get3A_196] {strides = array<i32>} : memref<256x128xf32, #tpu.memory_space<vmem>>, vector<16xf32>,
              %add3A_198 = arith.addf %while3A_172, %get3A_197 : vector<16xf32>
              %get3A_199 = arith.index_cast %while3A_166 : i32 to index
              %get3A_200 = arith.constant 96 : index
              %get3A_201 = tpu.vector_load %arg10[%get3A_199, %get3A_200] {strides = array<i32>} : memref<256x128xf32, #tpu.memory_space<vmem>>, vector<16xf32>,
              %add3A_202 = arith.addf %while3A_173, %get3A_201 : vector<16xf32>
              %get3A_203 = arith.index_cast %while3A_166 : i32 to index
              %get3A_204 = arith.constant 112 : index
              %get3A_205 = tpu.vector_load %arg10[%get3A_203, %get3A_204] {strides = array<i32>} : memref<256x128xf32, #tpu.memory_space<vmem>>, vector<16xf32>,
              %add3A_206 = arith.addf %while3A_174, %get3A_205 : vector<16xf32>
              scf.yield %add3A_178, %add3A_182, %add3A_186, %add3A_190, %add3A_194, %add3A_198, %add3A_202, %add3A_206 : vector<16xf32>, vector<16xf32>, vector<16xf32>, vector<16xf32>, vector<16xf32>, vector<16xf32>, vector<16xf32>, vector<16xf32>
            }
            scf.yield %while3A_165#0, %while3A_165#1, %while3A_165#2, %while3A_165#3, %while3A_165#4, %while3A_165#5, %while3A_165#6, %while3A_165#7 : vector<16xf32>, vector<16xf32>, vector<16xf32>, vector<16xf32>, vector<16xf32>, vector<16xf32>, vector<16xf32>, vector<16xf32>
          } else {
            %while3A_156 = arith.subi %sub3A_143, %sub3A_140 : i32
            %while3A_157 = arith.addi %sub3A_140, %while3A_156 : i32
            %while3A_158 = arith.constant 1 : i32
            %while3A_159 = arith.divsi %while3A_156, %while3A_158 : i32
            %while3A_160 = arith.muli %while3A_159, %while3A_158 : i32
            %while3A_161 = arith.addi %sub3A_140, %while3A_160 : i32
            %while3A_162 = arith.constant 1 : i32
            %while3A_163:8 = scf.for %while3A_166 = %sub3A_140 to %while3A_161 step %while3A_162 iter_args(%while3A_167 = %while3A_124, %while3A_168 = %while3A_125, %while3A_169 = %while3A_126, %while3A_170 = %while3A_127, %while3A_171 = %while3A_128, %while3A_172 = %while3A_129, %while3A_173 = %while3A_130, %while3A_174 = %while3A_131) -> (vector<16xf32>, vector<16xf32>, vector<16xf32>, vector<16xf32>, vector<16xf32>, vector<16xf32>, vector<16xf32>, vector<16xf32>)  : i32 {
              %get3A_175 = arith.index_cast %while3A_166 : i32 to index
              %get3A_176 = arith.constant 0 : index
              %get3A_177 = tpu.vector_load %arg11[%get3A_175, %get3A_176] {strides = array<i32>} : memref<256x128xf32, #tpu.memory_space<vmem>>, vector<16xf32>,
              %add3A_178 = arith.addf %while3A_167, %get3A_177 : vector<16xf32>
              %get3A_179 = arith.index_cast %while3A_166 : i32 to index
              %get3A_180 = arith.constant 16 : index
              %get3A_181 = tpu.vector_load %arg11[%get3A_179, %get3A_180] {strides = array<i32>} : memref<256x128xf32, #tpu.memory_space<vmem>>, vector<16xf32>,
              %add3A_182 = arith.addf %while3A_168, %get3A_181 : vector<16xf32>
              %get3A_183 = arith.index_cast %while3A_166 : i32 to index
              %get3A_184 = arith.constant 32 : index
              %get3A_185 = tpu.vector_load %arg11[%get3A_183, %get3A_184] {strides = array<i32>} : memref<256x128xf32, #tpu.memory_space<vmem>>, vector<16xf32>,
              %add3A_186 = arith.addf %while3A_169, %get3A_185 : vector<16xf32>
              %get3A_187 = arith.index_cast %while3A_166 : i32 to index
              %get3A_188 = arith.constant 48 : index
              %get3A_189 = tpu.vector_load %arg11[%get3A_187, %get3A_188] {strides = array<i32>} : memref<256x128xf32, #tpu.memory_space<vmem>>, vector<16xf32>,
              %add3A_190 = arith.addf %while3A_170, %get3A_189 : vector<16xf32>
              %get3A_191 = arith.index_cast %while3A_166 : i32 to index
              %get3A_192 = arith.constant 64 : index
              %get3A_193 = tpu.vector_load %arg11[%get3A_191, %get3A_192] {strides = array<i32>} : memref<256x128xf32, #tpu.memory_space<vmem>>, vector<16xf32>,
              %add3A_194 = arith.addf %while3A_171, %get3A_193 : vector<16xf32>
              %get3A_195 = arith.index_cast %while3A_166 : i32 to index
              %get3A_196 = arith.constant 80 : index
              %get3A_197 = tpu.vector_load %arg11[%get3A_195, %get3A_196] {strides = array<i32>} : memref<256x128xf32, #tpu.memory_space<vmem>>, vector<16xf32>,
              %add3A_198 = arith.addf %while3A_172, %get3A_197 : vector<16xf32>
              %get3A_199 = arith.index_cast %while3A_166 : i32 to index
              %get3A_200 = arith.constant 96 : index
              %get3A_201 = tpu.vector_load %arg11[%get3A_199, %get3A_200] {strides = array<i32>} : memref<256x128xf32, #tpu.memory_space<vmem>>, vector<16xf32>,
              %add3A_202 = arith.addf %while3A_173, %get3A_201 : vector<16xf32>
              %get3A_203 = arith.index_cast %while3A_166 : i32 to index
              %get3A_204 = arith.constant 112 : index
              %get3A_205 = tpu.vector_load %arg11[%get3A_203, %get3A_204] {strides = array<i32>} : memref<256x128xf32, #tpu.memory_space<vmem>>, vector<16xf32>,
              %add3A_206 = arith.addf %while3A_174, %get3A_205 : vector<16xf32>
              scf.yield %add3A_178, %add3A_182, %add3A_186, %add3A_190, %add3A_194, %add3A_198, %add3A_202, %add3A_206 : vector<16xf32>, vector<16xf32>, vector<16xf32>, vector<16xf32>, vector<16xf32>, vector<16xf32>, vector<16xf32>, vector<16xf32>
            }
            %while3A_164 = arith.constant 1 : i32
            %while3A_165:8 = scf.for %while3A_166 = %while3A_161 to %while3A_157 step %while3A_164 iter_args(%while3A_167 = %while3A_163#0, %while3A_168 = %while3A_163#1, %while3A_169 = %while3A_163#2, %while3A_170 = %while3A_163#3, %while3A_171 = %while3A_163#4, %while3A_172 = %while3A_163#5, %while3A_173 = %while3A_163#6, %while3A_174 = %while3A_163#7) -> (vector<16xf32>, vector<16xf32>, vector<16xf32>, vector<16xf32>, vector<16xf32>, vector<16xf32>, vector<16xf32>, vector<16xf32>)  : i32 {
              %get3A_175 = arith.index_cast %while3A_166 : i32 to index
              %get3A_176 = arith.constant 0 : index
              %get3A_177 = tpu.vector_load %arg11[%get3A_175, %get3A_176] {strides = array<i32>} : memref<256x128xf32, #tpu.memory_space<vmem>>, vector<16xf32>,
              %add3A_178 = arith.addf %while3A_167, %get3A_177 : vector<16xf32>
              %get3A_179 = arith.index_cast %while3A_166 : i32 to index
              %get3A_180 = arith.constant 16 : index
              %get3A_181 = tpu.vector_load %arg11[%get3A_179, %get3A_180] {strides = array<i32>} : memref<256x128xf32, #tpu.memory_space<vmem>>, vector<16xf32>,
              %add3A_182 = arith.addf %while3A_168, %get3A_181 : vector<16xf32>
              %get3A_183 = arith.index_cast %while3A_166 : i32 to index
              %get3A_184 = arith.constant 32 : index
              %get3A_185 = tpu.vector_load %arg11[%get3A_183, %get3A_184] {strides = array<i32>} : memref<256x128xf32, #tpu.memory_space<vmem>>, vector<16xf32>,
              %add3A_186 = arith.addf %while3A_169, %get3A_185 : vector<16xf32>
              %get3A_187 = arith.index_cast %while3A_166 : i32 to index
              %get3A_188 = arith.constant 48 : index
              %get3A_189 = tpu.vector_load %arg11[%get3A_187, %get3A_188] {strides = array<i32>} : memref<256x128xf32, #tpu.memory_space<vmem>>, vector<16xf32>,
              %add3A_190 = arith.addf %while3A_170, %get3A_189 : vector<16xf32>
              %get3A_191 = arith.index_cast %while3A_166 : i32 to index
              %get3A_192 = arith.constant 64 : index
              %get3A_193 = tpu.vector_load %arg11[%get3A_191, %get3A_192] {strides = array<i32>} : memref<256x128xf32, #tpu.memory_space<vmem>>, vector<16xf32>,
              %add3A_194 = arith.addf %while3A_171, %get3A_193 : vector<16xf32>
              %get3A_195 = arith.index_cast %while3A_166 : i32 to index
              %get3A_196 = arith.constant 80 : index
              %get3A_197 = tpu.vector_load %arg11[%get3A_195, %get3A_196] {strides = array<i32>} : memref<256x128xf32, #tpu.memory_space<vmem>>, vector<16xf32>,
              %add3A_198 = arith.addf %while3A_172, %get3A_197 : vector<16xf32>
              %get3A_199 = arith.index_cast %while3A_166 : i32 to index
              %get3A_200 = arith.constant 96 : index
              %get3A_201 = tpu.vector_load %arg11[%get3A_199, %get3A_200] {strides = array<i32>} : memref<256x128xf32, #tpu.memory_space<vmem>>, vector<16xf32>,
              %add3A_202 = arith.addf %while3A_173, %get3A_201 : vector<16xf32>
              %get3A_203 = arith.index_cast %while3A_166 : i32 to index
              %get3A_204 = arith.constant 112 : index
              %get3A_205 = tpu.vector_load %arg11[%get3A_203, %get3A_204] {strides = array<i32>} : memref<256x128xf32, #tpu.memory_space<vmem>>, vector<16xf32>,
              %add3A_206 = arith.addf %while3A_174, %get3A_205 : vector<16xf32>
              scf.yield %add3A_178, %add3A_182, %add3A_186, %add3A_190, %add3A_194, %add3A_198, %add3A_202, %add3A_206 : vector<16xf32>, vector<16xf32>, vector<16xf32>, vector<16xf32>, vector<16xf32>, vector<16xf32>, vector<16xf32>, vector<16xf32>
            }
            scf.yield %while3A_165#0, %while3A_165#1, %while3A_165#2, %while3A_165#3, %while3A_165#4, %while3A_165#5, %while3A_165#6, %while3A_165#7 : vector<16xf32>, vector<16xf32>, vector<16xf32>, vector<16xf32>, vector<16xf32>, vector<16xf32>, vector<16xf32>, vector<16xf32>
          }
          scf.yield %cond3A_155#0, %cond3A_155#1, %cond3A_155#2, %cond3A_155#3, %cond3A_155#4, %cond3A_155#5, %cond3A_155#6, %cond3A_155#7 : vector<16xf32>, vector<16xf32>, vector<16xf32>, vector<16xf32>, vector<16xf32>, vector<16xf32>, vector<16xf32>, vector<16xf32>
        }
        scf.yield %cond3A_136, %cond3A_149#0, %cond3A_149#1, %cond3A_149#2, %cond3A_149#3, %cond3A_149#4, %cond3A_149#5, %cond3A_149#6, %cond3A_149#7 : i32, vector<16xf32>, vector<16xf32>, vector<16xf32>, vector<16xf32>, vector<16xf32>, vector<16xf32>, vector<16xf32>, vector<16xf32>
      }
      %sub3A_84 = arith.subi %get3A_59, %get3A_55 : i32
      %max3A_85 = arith.constant 1 : i32
      %max3A_86 = arith.maxsi %sub3A_84, %max3A_85 : i32
      %convert_element_type3A_87 = arith.sitofp %max3A_86 : i32 to f32
      %broadcast_in_dim3A_88 = arith.constant 1.000000e+00 : f32
      %broadcast_in_dim3A_89 = vector.broadcast %broadcast_in_dim3A_88 : f32 to vector<16xf32>
      %broadcast_in_dim3A_90 = vector.broadcast %convert_element_type3A_87 : f32 to vector<16xf32>
      %div3A = arith.divf %broadcast_in_dim3A_89, %broadcast_in_dim3A_90 : vector<16xf32>
      %mul3A_91 = arith.mulf %while3A_83#1, %div3A : vector<16xf32>
      %swap3A = arith.index_cast %scan3A_52 : i32 to index
      %swap3A_92 = arith.constant 0 : index
      %swap3A_93 = tpu.vector_load %arg12[%swap3A, %swap3A_92] {strides = array<i32>} : memref<128x128xf32, #tpu.memory_space<vmem>>, vector<16xf32>,
      tpu.vector_store %arg12[%swap3A, %swap3A_92], %mul3A_91 {strides = array<i32>} : memref<128x128xf32, #tpu.memory_space<vmem>>, vector<16xf32>,
      %mul3A_94 = arith.mulf %while3A_83#2, %div3A : vector<16xf32>
      %swap3A_95 = arith.index_cast %scan3A_52 : i32 to index
      %swap3A_96 = arith.constant 16 : index
      %swap3A_97 = tpu.vector_load %arg12[%swap3A_95, %swap3A_96] {strides = array<i32>} : memref<128x128xf32, #tpu.memory_space<vmem>>, vector<16xf32>,
      tpu.vector_store %arg12[%swap3A_95, %swap3A_96], %mul3A_94 {strides = array<i32>} : memref<128x128xf32, #tpu.memory_space<vmem>>, vector<16xf32>,
      %mul3A_98 = arith.mulf %while3A_83#3, %div3A : vector<16xf32>
      %swap3A_99 = arith.index_cast %scan3A_52 : i32 to index
      %swap3A_100 = arith.constant 32 : index
      %swap3A_101 = tpu.vector_load %arg12[%swap3A_99, %swap3A_100] {strides = array<i32>} : memref<128x128xf32, #tpu.memory_space<vmem>>, vector<16xf32>,
      tpu.vector_store %arg12[%swap3A_99, %swap3A_100], %mul3A_98 {strides = array<i32>} : memref<128x128xf32, #tpu.memory_space<vmem>>, vector<16xf32>,
      %mul3A_102 = arith.mulf %while3A_83#4, %div3A : vector<16xf32>
      %swap3A_103 = arith.index_cast %scan3A_52 : i32 to index
      %swap3A_104 = arith.constant 48 : index
      %swap3A_105 = tpu.vector_load %arg12[%swap3A_103, %swap3A_104] {strides = array<i32>} : memref<128x128xf32, #tpu.memory_space<vmem>>, vector<16xf32>,
      tpu.vector_store %arg12[%swap3A_103, %swap3A_104], %mul3A_102 {strides = array<i32>} : memref<128x128xf32, #tpu.memory_space<vmem>>, vector<16xf32>,
      %mul3A_106 = arith.mulf %while3A_83#5, %div3A : vector<16xf32>
      %swap3A_107 = arith.index_cast %scan3A_52 : i32 to index
      %swap3A_108 = arith.constant 64 : index
      %swap3A_109 = tpu.vector_load %arg12[%swap3A_107, %swap3A_108] {strides = array<i32>} : memref<128x128xf32, #tpu.memory_space<vmem>>, vector<16xf32>,
      tpu.vector_store %arg12[%swap3A_107, %swap3A_108], %mul3A_106 {strides = array<i32>} : memref<128x128xf32, #tpu.memory_space<vmem>>, vector<16xf32>,
      %mul3A_110 = arith.mulf %while3A_83#6, %div3A : vector<16xf32>
      %swap3A_111 = arith.index_cast %scan3A_52 : i32 to index
      %swap3A_112 = arith.constant 80 : index
      %swap3A_113 = tpu.vector_load %arg12[%swap3A_111, %swap3A_112] {strides = array<i32>} : memref<128x128xf32, #tpu.memory_space<vmem>>, vector<16xf32>,
      tpu.vector_store %arg12[%swap3A_111, %swap3A_112], %mul3A_110 {strides = array<i32>} : memref<128x128xf32, #tpu.memory_space<vmem>>, vector<16xf32>,
      %mul3A_114 = arith.mulf %while3A_83#7, %div3A : vector<16xf32>
      %swap3A_115 = arith.index_cast %scan3A_52 : i32 to index
      %swap3A_116 = arith.constant 96 : index
      %swap3A_117 = tpu.vector_load %arg12[%swap3A_115, %swap3A_116] {strides = array<i32>} : memref<128x128xf32, #tpu.memory_space<vmem>>, vector<16xf32>,
      tpu.vector_store %arg12[%swap3A_115, %swap3A_116], %mul3A_114 {strides = array<i32>} : memref<128x128xf32, #tpu.memory_space<vmem>>, vector<16xf32>,
      %mul3A_118 = arith.mulf %while3A_83#8, %div3A : vector<16xf32>
      %swap3A_119 = arith.index_cast %scan3A_52 : i32 to index
      %swap3A_120 = arith.constant 112 : index
      %swap3A_121 = tpu.vector_load %arg12[%swap3A_119, %swap3A_120] {strides = array<i32>} : memref<128x128xf32, #tpu.memory_space<vmem>>, vector<16xf32>,
      tpu.vector_store %arg12[%swap3A_119, %swap3A_120], %mul3A_118 {strides = array<i32>} : memref<128x128xf32, #tpu.memory_space<vmem>>, vector<16xf32>,
      scf.yield %while3A_83#0 : i32
    }
    %scan3A_51 = arith.constant 128 : i32
    "tpu.region"() ({
      %run_scoped3A = tpu.sem_alloc : memref<!tpu.dma_semaphore, #tpu.memory_space<semaphore_mem>>
      %dma_start3A = arith.constant 0 : i32
      %dma_start3A_52 = tpu.memref_slice %arg5[%multiple_of3A, %dma_start3A] : memref<4096x128xf32, #tpu.memory_space<hbm>> -> memref<128x128xf32, #tpu.memory_space<hbm>>
      %dma_start3A_53 = arith.constant 0 : i32
      %dma_start3A_54 = tpu.memref_slice %arg5[%multiple_of3A, %dma_start3A_53] : memref<4096x128xf32, #tpu.memory_space<hbm>> -> memref<128x128xf32, #tpu.memory_space<hbm>>
      tpu.enqueue_dma source(%arg12 : memref<128x128xf32, #tpu.memory_space<vmem>>) target(%dma_start3A_54 : memref<128x128xf32, #tpu.memory_space<hbm>>) target_semaphore(%run_scoped3A : memref<!tpu.dma_semaphore, #tpu.memory_space<semaphore_mem>>)
      %dma_wait3A = arith.constant 0 : i32
      %dma_wait3A_55 = tpu.memref_slice %arg5[%multiple_of3A, %dma_wait3A] : memref<4096x128xf32, #tpu.memory_space<hbm>> -> memref<128x128xf32, #tpu.memory_space<hbm>>
      %dma_wait3A_56 = arith.constant 0 : i32
      %dma_wait3A_57 = tpu.memref_slice %arg5[%multiple_of3A, %dma_wait3A_56] : memref<4096x128xf32, #tpu.memory_space<hbm>> -> memref<128x128xf32, #tpu.memory_space<hbm>>
      tpu.wait_dma2 semaphore(%run_scoped3A : memref<!tpu.dma_semaphore, #tpu.memory_space<semaphore_mem>>) src(%arg12 : memref<128x128xf32, #tpu.memory_space<vmem>>) dst(%dma_wait3A_57 : memref<128x128xf32, #tpu.memory_space<hbm>>)
      tpu.yield
    }) : () -> ()
    return
  }
}

</mosaic_0001>

<sc_bundles>
// kernel: kernel.3.cloned.1.call-start
scs
__scs_entry_jumppad:
0x0: {  	(pc) =	sbr.rel $0x88, $3  }
0x1: {  	(tag) =	ssettag $0x0;
	lr =	simm.s32 $0x1  }
0x2: {  	[smem:$0x3F9E] =	sst lr;
	_ =	strace $0xD0000000  }
0x3: {  	_ = 	snop  }
0x4: {  	_ = 	snop  }
0x5: {  	_ = 	snop  }
0x6: {  	_ = 	snop  }
0x7: {  	_ = 	snop  }
__scs_overlays_trampoline_lowered:
0x8: {  	[smem:$0x3FAD] =	sst s0  }
0x9: {  	[smem:$0x3FAE] =	sst s1  }
0xa: {  	[smem:$0x3FAF] =	sst s2  }
0xb: {  	[smem:$0x3FB0] =	sst s3  }
0xc: {  	[smem:$0x3FB1] =	sst s4  }
0xd: {  	[smem:$0x3FB2] =	sst s5  }
0xe: {  	[smem:$0x3FB3] =	sst s6  }
0xf: {  	[smem:$0x3FB4] =	sst s7  }
0x10: {  	[smem:$0x3FB5] =	sst s8  }
0x11: {  	[smem:$0x3FB6] =	sst s9;
	s0 =	simm.s32 @!p0 $0x0  }
0x12: {  	s1 =	sld [smem:$0x3F9C];
	s0 =	simm.s32 @p0 $0x1  }
0x13: {  	[smem:$0x3FB7] =	sst s0;
	s0 =	simm.s32 @!p1 $0x0  }
0x14: {  	s2 =	sld [smem:$0x3F9B];
	s0 =	simm.s32 @p1 $0x1  }
0x15: {  	[smem:$0x3FB8] =	sst s0;
	s0 =	simm.s32 @!p2 $0x0  }
0x16: {  	s3 =	sld [smem:$0x3FDB];
	s0 =	simm.s32 @p2 $0x1  }
0x17: {  	s4 =	simm.s32 $0x1BF5;
	[smem:$0x3FBA] =	sst s0  }
0x18: {  	s0 =	sld [smem:$0x3F9D];
	_ =	swait.ge [sflag:s4], $0x0  }
0x19: {  	s7 =	sld [smem:$0x3F9E]  }
0x1a: {  	s8 =	sadd.s32 $0xFFFFE003, lr  }
0x1b: {  	s9 =	sadd.s32 $0xFFFFFEF7, lr;
	s5 =	simm.s32 $0xFFFFFFFF;
	p2 =	slt.u32 s8, $0xFFFFF086  }
0x1c: {  	p1 =	slt.u32 s9, $0xF7A;
	s5 =	simm.s32 @!p2 $0x0  }
0x1d: {  	s5 =	simm.s32 @p1 $0x1;
	p0 =	seq.s32 s7, s2  }
0x1e: {  	s7 =	smul.u32 @!p0 $0xF7A, s2;
	p2 =	seq.s32 @!p0 s5, $0x0  }
0x1f: {  	s9 =	smul.u32 $0xF7A, s1;
	s8 =	simm.s32 @!p0 $0x1BF5;
	p2 =	por !p2, p0  }
0x20: {  	[sflag:s8] =	ssyncset.s32 @!p0 $0xFFFFF086;
	s6 =	sadd.s32 @!p0 s3, s7;
	s7 =	simm.s32 @!p0 $0x108  }
0x21: {  	s3 =	sadd.s32 s3, s9;
	s6 =	sadd.s32 @!p0 $0x88, s6;
	s7 =	simm.s32 @p2 $0x1082  }
0x22: {  	[simem:s7], [sflag:s8] =	dma.local @!p0 [hbm:s6], $0xF7A  }
0x23: {  	s9 =	sor.u32 $0xD0000000, s2;
	s6 =	simm.s32 $0x108;
	_ =	swait.ge @!p0 [sflag:s8], $0x0  }
0x24: {  	s3 =	sadd.s32 $0x88, s3;
	s6 =	simm.s32 @!p1 $0x1082;
	[sflag:s4] =	ssyncset.s32 $0xFFFFF086  }
0x25: {  	[simem:s6], [sflag:s4] =	dma.local [hbm:s3], $0xF7A  }
0x26: {  	[smem:$0x3F9E] =	sst s1;
	(tag) =	ssettag s2;
	_ =	strace s9  }
0x27: {  	s1 =	sld [smem:$0x3FAE]  }
0x28: {  	s2 =	sld [smem:$0x3FAF]  }
0x29: {  	s4 =	sld [smem:$0x3FB1]  }
0x2a: {  	p0 =	seq.s32 s5, $0x0;
	s5 =	sld [smem:$0x3FB2]  }
0x2b: {  	s6 =	sld [smem:$0x3FB3]  }
0x2c: {  	s7 =	sld [smem:$0x3FB4]  }
0x2d: {  	s3 =	simm.s32 $0x108;
	s8 =	sld [smem:$0x3FB5]  }
0x2e: {  	s3 =	simm.s32 @!p0 $0x1082;
	s9 =	sld [smem:$0x3FB6]  }
0x2f: {  	lr =	sadd.s32 s0, s3;
	s0 =	sld [smem:$0x3FAD]  }
0x30: {  	s3 =	sld [smem:$0x3FB0]  }
0x31: {  	[smem:$0x3FB9] =	sst s10  }
0x32: {  	s10 =	sld [smem:$0x3FB7];
	_ =	sdelay $0x3  }
0x33: {  	p0 =	seq.s32 s10, $0x1;
	s10 =	sld [smem:$0x3FB9];
	_ =	sdelay $0x3  }
0x34: {  	[smem:$0x3FB9] =	sst s10  }
0x35: {  	s10 =	sld [smem:$0x3FB8];
	_ =	sdelay $0x3  }
0x36: {  	p1 =	seq.s32 s10, $0x1;
	s10 =	sld [smem:$0x3FB9];
	_ =	sdelay $0x3  }
0x37: {  	[smem:$0x3FB9] =	sst s10  }
0x38: {  	s10 =	sld [smem:$0x3FBA]  }
0x39: {  	_ = 	snop;
	(pc) =	sbr.ind lr, $3  }
0x3a: {  	_ = 	snop  }
0x3b: {  	_ = 	snop  }
0x3c: {  	p2 =	seq.s32 s10, $0x1;
	s10 =	sld [smem:$0x3FB9]  }
0x3d: {  	_ =	shalt  }
0x3e: {  	_ =	shalt  }
0x3f: {  	_ =	shalt  }
0x40: {  	_ =	shalt  }
0x41: {  	_ =	shalt  }
0x42: {  	_ =	shalt  }
0x43: {  	_ =	shalt  }
0x44: {  	_ =	shalt  }
0x45: {  	_ =	shalt  }
0x46: {  	_ =	shalt  }
0x47: {  	_ =	shalt  }
0x48: {  	_ =	shalt  }
0x49: {  	_ =	shalt  }
0x4a: {  	_ =	shalt  }
0x4b: {  	_ =	shalt  }
0x4c: {  	_ =	shalt  }
0x4d: {  	_ =	shalt  }
0x4e: {  	_ =	shalt  }
0x4f: {  	_ =	shalt  }
0x50: {  	_ =	shalt  }
0x51: {  	_ =	shalt  }
0x52: {  	_ =	shalt  }
0x53: {  	_ =	shalt  }
0x54: {  	_ =	shalt  }
0x55: {  	_ =	shalt  }
0x56: {  	_ =	shalt  }
0x57: {  	_ =	shalt  }
0x58: {  	_ =	shalt  }
0x59: {  	_ =	shalt  }
0x5a: {  	_ =	shalt  }
0x5b: {  	_ =	shalt  }
0x5c: {  	_ =	shalt  }
0x5d: {  	_ =	shalt  }
0x5e: {  	_ =	shalt  }
0x5f: {  	_ =	shalt  }
0x60: {  	_ =	shalt  }
0x61: {  	_ =	shalt  }
0x62: {  	_ =	shalt  }
0x63: {  	_ =	shalt  }
0x64: {  	_ =	shalt  }
0x65: {  	_ =	shalt  }
0x66: {  	_ =	shalt  }
0x67: {  	_ =	shalt  }
0x68: {  	_ =	shalt  }
0x69: {  	_ =	shalt  }
0x6a: {  	_ =	shalt  }
0x6b: {  	_ =	shalt  }
0x6c: {  	_ =	shalt  }
0x6d: {  	_ =	shalt  }
0x6e: {  	_ =	shalt  }
0x6f: {  	_ =	shalt  }
0x70: {  	_ =	shalt  }
0x71: {  	_ =	shalt  }
0x72: {  	_ =	shalt  }
0x73: {  	_ =	shalt  }
0x74: {  	_ =	shalt  }
0x75: {  	_ =	shalt  }
0x76: {  	_ =	shalt  }
0x77: {  	_ =	shalt  }
0x78: {  	_ =	shalt  }
0x79: {  	_ =	shalt  }
0x7a: {  	_ =	shalt  }
0x7b: {  	_ =	shalt  }
0x7c: {  	_ =	shalt  }
0x7d: {  	_ =	shalt  }
0x7e: {  	_ =	shalt  }
0x7f: {  	_ =	shalt  }
0x80: {  	_ =	shalt  }
0x81: {  	_ =	shalt  }
0x82: {  	_ =	shalt  }
0x83: {  	_ =	shalt  }
0x84: {  	_ =	shalt  }
0x85: {  	_ =	shalt  }
0x86: {  	_ =	shalt  }
0x87: {  	_ =	shalt  }
.Lfunc_end0:
.L_simem_size_0:
called_computation_lowered:
.L_overlay_start_0:
0x88: {  	s2 =	sld [smem:$0x3FD9]  }
0x89: {  	s3 =	sld [smem:$0x3FFE];
	_ =	sdelay $0x1  }
0x8a: {  	s1 =	srdreg.scid  }
0x8b: {  	s0 =	sand.u32 $0x1, s1  }
0x8c: {  	s17 =	sshll.u32 s0, $0xA;
	s2 =	sadd.s32 s3, s2  }
0x8d: {  	s2 =	sadd.s32 s2, s17  }
0x8e: {  	[smem:$0x3FC5] =	sst s2  }
0x8f: {  	_ = 	snop  }
0x90: {  	s2 =	sld [smem:$0x3FC7]  }
0x91: {  	s18 =	sld [smem:$0x3FD0];
	(tm) =	ssettm $0x1  }
0x92: {  	s4 =	sld [smem:$0x3FFB];
	_ =	sdelay $0x3  }
0x93: {  	_ =	strace s4  }
0x94: {  	s4 =	sld [smem:$0x3FFC];
	_ =	sdelay $0x3  }
0x95: {  	_ =	strace s4  }
0x96: {  	s4 =	sld [smem:$0x3FFD];
	_ =	sdelay $0x3  }
0x97: {  	_ =	strace s4  }
0x98: {  	_ =	strace $0x8FFFFFFF  }
0x99: {  	s19 =	sld [smem:$0x3FDB];
	_ =	sdelay $0x1  }
0x9a: {  	s5 =	simm.s32 $_scs_section_size  }
0x9b: {  	s6 =	simm.s32 $_size__tile_overlayer_lowered;
	s7 =	simm.s32 $_tile_overlayer_lowered  }
0x9c: {  	s22 =	simm.s32 $0x1BFF;
	s21 =	sshll.u32 s7, $0x1;
	s4 =	sadd.s32 s5, s19  }
0x9d: {  	s8 =	simm.s32 $0x0;
	s20 =	sshll.u32 s6, $0x1;
	s6 =	sadd.s32 s21, s4  }
0x9e: {  	[timem:s8], [sflag:s22] =	dma.local [hbm:s6], s20  }
0x9f: {  	_ =	swait.ge [sflag:s22], s20  }
0xa0: {  	s5 =	ssub.s32 $0x0, s20;
	[sflag:s22] =	ssyncset.done $0x0  }
0xa1: {  	[sflag:s22] =	ssyncadd.s32 s5;
	_ =	sdelay $0x1  }
0xa2: {  	s23 =	simm.s32 $0x1B8B  }
0xa3: {  	_ =	swait.ge [sflag:s23], $0x1  }
0xa4: {  	[sflag:s23] =	ssyncset.done $0x0  }
0xa5: {  	s25 =	simm.s32 $0x1B8E;
	s24 =	sld [smem:$0x3FFE];
	[sflag:s23] =	ssyncadd.s32 $0xFFFFFFFF  }
0xa6: {  	s26 =	simm.s32 $execute0_lowered;
	[smem:$0x3FD2] =	sst s25  }
0xa7: {  	s6 =	sshll.u32 s26, $0x1;
	_ =	strace $0x80000046;
	[dreg:$0x1] =	wrdreg $0xFFFFFFFF  }
0xa8: {  	s28 =	simm.s32 $_size_execute0_lowered;
	s4 =	sadd.s32 s4, s6;
	[dreg:$0x0] =	wrdreg $0x0  }
0xa9: {  	s6 =	sshll.u32 s28, $0x1;
	[dreg:$0x2] =	wrdreg s4  }
0xaa: {  	[dreg:$0x3] =	wrdreg s6  }
0xab: {  	[dreg:$0x4] =	wrdreg $0xC0  }
0xac: {  	_ =	task [dreg:s8], $0x5FFFF  }
0xad: {  	[dreg:$0x1] =	wrdreg $0xFFFFFFFF  }
0xae: {  	[dreg:$0x0] =	wrdreg $0x60  }
0xaf: {  	[dreg:$0x2] =	wrdreg s2  }
0xb0: {  	[dreg:$0x3] =	wrdreg s24  }
0xb1: {  	[dreg:$0x4] =	wrdreg s18  }
0xb2: {  	[dreg:$0x5] =	wrdreg $0x9  }
0xb3: {  	_ =	task.clear_ibuf [dreg:s8], $0x6FFFF;
	_ =	strace $0x90000046  }
0xb4: {  	s29 =	simm.s32 $0x9;
	_ =	strace $0x80000048  }
0xb5: {  	_ =	swait.ge [sflag:s29], $0x1  }
0xb6: {  	[sflag:s29] =	ssyncadd.s32 $0xFFFFFFFF  }
0xb7: {  	_ =	strace $0x90000048  }
0xb8: {  	_ =	sfence  }
0xb9: {  	s30 =	sld [smem:$0x0];
	_ =	sdelay $0x2  }
0xba: {  	s31 =	sshll.u32 s1, $0xD;
	s1 =	sshrl.u32 s1, $0x2  }
0xbb: {  	s3 =	sand.u32 $0x4000, s31;
	s1 =	sadd.s32 s1, s30  }
0xbc: {  	s0 =	sor.u32 s3, s0;
	s1 =	sshll.u32 s1, $0x11  }
0xbd: {  	s0 =	sor.u32 s1, s0  }
0xbe: {  	s0 =	sadd.s32 $0x8F2B, s0  }
0xbf: {  	[sflag:s0] =	ssyncadd.remote.s32 $0x1  }
0xc0: {  	_ =	sfence.sel $0xFFFF  }
0xc1: {  	[dreg:$0x0] =	wrdreg $0xFFFFFFFF;
	(pc) =	sbr.abs _section_cstart, $3  }
0xc2: {  	[dreg:$0x1] =	wrdreg $0xFFFFFFFF  }
0xc3: {  	_ =	task.clear_ibuf [dreg:s8], $0x2FFFF;
	_ =	strace $0x9FFFFFFF  }
0xc4: {  	(tm) =	ssettm $0x7FFFFFFF  }
0xc5: {  	_ =	shalt  }
tec
execute0_lowered:
.L_overlay_start_1:
0x0: {  	(tag) =	ssettag $0x1  }
0x1: {  	s1 =	rddreg [dreg:$0x0]  }
0x2: {  	s5 =	rddreg [dreg:$0x1]  }
0x3: {  	s6 =	rddreg [dreg:$0x2];
	s3 =	srdreg.scid  }
0x4: {  	s0 =	rddreg [dreg:$0x3];
	s2 =	stileid.u32;
	s10 =	simm.s32 $0x2  }
0x5: {  	s11 =	simm.s32 $0x1;
	s12 =	simm.s32 $0x3;
	s13 =	simm.s32 $0x18300  }
0x6: {  	s14 =	simm.s32 $0x0;
	s4 =	sand.u32 $0x1, s3;
	s3 =	simm.s32 $0x0  }
0x7: {  	s7 =	sshll.u32 s2, $0x8;
	s8 =	sshll.u32 s4, $0x7;
	[smem:$0x7FF] =	sst s3  }
.Ltmp0:
0x8: {  	s9 =	ssub.s32 $0x2, s4;
	s7 =	sor.u32 s8, s7;
	(pc) =	sbr.rel .LBB2_1-.Ltmp0, $4  }
0x9: {  	s4 =	sadd.s32 $0x800, s5;
	_ =	strace $0x80000047;
	s8 =	sshrl.u32 s7, $0x3  }
0xa: {  	s31 =	sshrl.u32 s9, $0x1;
	s7 =	sshll.u32 s7, $0x4;
	s5 =	sadd.s32 s8, s5  }
0xb: {  	s8 =	ssub.s32 s9, s31;
	s6 =	sadd.s32 s6, s7;
	s9 =	simm.s32 $0x7  }
0xc: {  	s5 =	sadd.s32 $0x400, s5;
	s7 =	smax.u32 s8, $0x1;
	s8 =	simm.s32 $0x1C300  }
.LBB2_29:
0xd: {  	s14 =	sadd.s32 $0x1, s14  }
0xe: {  	p0 =	sne.s32 s14, s7  }
.Ltmp1:
0xf: {  	_ = 	snop;
	(pc) =	sbr.rel @!p0 .LBB2_30-.Ltmp1, $4  }
0x10: {  	[hbm4b:s6+s3] =	stream.linear.scatter [tilespmem:s13], [sflag:$0x7], $0x4000, $0x38;
	[tilespmem:$0x1C400] =	vst v63  }
0x11: {  	_ =	swait.ge [sflag:s9], $0x4000  }
0x12: {  	[sflag:s9] =	ssyncset.done $0x0  }
0x13: {  	[sflag:s9] =	ssyncadd.s32 $0xFFFFC000  }
.LBB2_1:
0x14: {  	v0 =	vmov s3  }
0x15: {  	[tilespmem:s8], [sflag:$0x7] =	stream.linear.gather [hbm4b:s5+s3], $0x90, $0x38;
	[tilespmem:$0x1C400] =	vst v63  }
0x16: {  	_ =	swait.ge [sflag:s9], $0x90  }
0x17: {  	[sflag:s9] =	ssyncset.done $0x0  }
0x18: {  	[sflag:s9] =	ssyncadd.s32 $0xFFFFFF70  }
0x19: {  	v0 =	vld.idx.msk [tilespmem:v0+s8+$0x0], $0xffff;
	_ =	sdelay $0x4  }
0x1a: {  	v0 =	vxor.u32 $0x80000000, v0  }
0x1b: {  	(xrf0) =	vmax.scan.msk.u32 $0xffff, v0;
	_ =	sdelay $0x1  }
0x1c: {  	s15 =	simm.s32 $0x1  }
0x1d: {  	s26 =	simm.s32 $0x2;
	v0 =	vmov s15  }
0x1e: {  	v1 =	vmov s26;
	_ =	sdelay $0x1  }
0x1f: {  	v2, _, _ =	vpop (xrf0)  }
0x20: {  	(v2sf) =	vpush v2, $0xF  }
0x21: {  	v0 =	vld.idx.msk [tilespmem:v0+s8+$0x0], $0xffff  }
0x22: {  	v1 =	vld.idx.msk [tilespmem:v1+s8+$0x0], $0xffff;
	_ =	sdelay $0x3  }
0x23: {  	s29 =	simm.s32 $0x4;
	v0 =	vxor.u32 $0x80000000, v0  }
0x24: {  	s28 =	simm.s32 $0x3;
	v3 =	vmov s29;
	(xrf0) =	vmax.scan.msk.u32 $0xffff, v0;
	v0 =	vxor.u32 $0x80000000, v1  }
0x25: {  	v2 =	vmov s28;
	(xrf0) =	vmax.scan.msk.u32 $0xffff, v0;
	_ =	sdelay $0x3  }
0x26: {  	v1 =	vld.idx.msk [tilespmem:v3+s8+$0x0], $0xffff  }
0x27: {  	v0 =	vld.idx.msk [tilespmem:v2+s8+$0x0], $0xffff;
	v3, _, _ =	vpop (xrf0)  }
0x28: {  	(v2sf) =	vpush v3, $0xF;
	v3, _, _ =	vpop (xrf0)  }
0x29: {  	s31 =	spop (v2sf);
	(v2sf) =	vpush v3, $0xF;
	_ =	sdelay $0x2  }
0x2a: {  	s30 =	simm.s32 $0x5;
	v0 =	vxor.u32 $0x80000000, v0  }
0x2b: {  	v2 =	vmov s30;
	(xrf0) =	vmax.scan.msk.u32 $0xffff, v0;
	_ =	sdelay $0x4  }
0x2c: {  	s16 =	simm.s32 $0x6;
	s15 =	simm.s32 $0x0;
	v1 =	vxor.u32 $0x80000000, v1;
	v0 =	vld.idx.msk [tilespmem:v2+s8+$0x0], $0xffff;
	s17 =	sxor.u32 $0x80000000, s31  }
.LBB2_2:
0x2d: {  	v2 =	vmov s16;
	p0 =	sne.s32 s16, $0x80;
	s16 =	sadd.s32 $0x1, s16;
	(xrf0) =	vmax.scan.msk.u32 $0xffff, v1;
	v1, _, _ =	vpop (xrf0);
	[smem:s15] =	sst s17  }
.Ltmp2:
0x2e: {  	(v2sf) =	vpush v1, $0xF;
	(pc) =	sbr.rel @p0 .LBB2_2-.Ltmp2, $3  }
0x2f: {  	_ =	sdelay $0x1  }
0x30: {  	s17 =	spop (v2sf)  }
0x31: {  	s15 =	sadd.s32 $0x1, s15;
	v1 =	vxor.u32 $0x80000000, v0;
	v0 =	vld.idx.msk [tilespmem:v2+s8+$0x0], $0xffff;
	s17 =	sxor.u32 $0x80000000, s17  }
0x32: {  	_ =	sdelay $0x3  }
0x33: {  	(xrf0) =	vmax.scan.msk.u32 $0xffff, v1;
	v0 =	vxor.u32 $0x80000000, v0  }
0x34: {  	(xrf0) =	vmax.scan.msk.u32 $0xffff, v0;
	_ =	sdelay $0x2  }
0x35: {  	v61, _, _ =	vpop (xrf0)  }
0x36: {  	(v2sf) =	vpush v61, $0xF  }
0x37: {  	v62, _, _ =	vpop (xrf0)  }
0x38: {  	(v2sf) =	vpush v62, $0xF;
	v63, _, _ =	vpop (xrf0)  }
0x39: {  	(v2sf) =	vpush v63, $0xF;
	_ =	sdelay $0x9  }
0x3a: {  	s16 =	spop (v2sf);
	[smem:s15] =	sst s17;
	s22 =	sadd.s32 $0x1, s15  }
0x3b: {  	s16 =	sxor.u32 $0x80000000, s16;
	s15 =	sadd.s32 $0x1, s22;
	s23 =	spop (v2sf)  }
0x3c: {  	[smem:s22] =	sst s16;
	s24 =	sxor.u32 $0x80000000, s23;
	s25 =	spop (v2sf)  }
0x3d: {  	[smem:s15] =	sst s24;
	s15 =	sadd.s32 $0x1, s15;
	s26 =	sxor.u32 $0x80000000, s25  }
0x3e: {  	[smem:s15] =	sst s26;
	s28 =	spop (v2sf)  }
0x3f: {  	s15 =	sadd.s32 $0x1, s15;
	s16 =	sxor.u32 $0x80000000, s28;
	s29 =	spop (v2sf)  }
0x40: {  	[smem:s15] =	sst s16;
	s15 =	sadd.s32 $0x1, s15;
	s30 =	sxor.u32 $0x80000000, s29  }
0x41: {  	[smem:s15] =	sst s30  }
0x42: {  	s31 =	sld [smem:$0x80]  }
0x43: {  	s16 =	sld [smem:$0x0];
	_ =	sdelay $0x1  }
0x44: {  	s18 =	sadd.s32 $0xFFFFFFFF, s31  }
0x45: {  	s15 =	sshrl.u32 s16, $0x8;
	s18 =	sshrl.u32 s18, $0x8  }
0x46: {  	s18 =	ssub.s32 s18, s15  }
0x47: {  	p0 =	sgt.s32 s31, s16;
	s18 =	sadd.s32 $0x1, s18  }
0x48: {  	s18 =	simm.s32 @!p0 $0x0  }
0x49: {  	p1 =	slt.s32 s18, $0x1  }
0x4a: {  	s17 =	sshrl.u32 @!p1 s16, $0x3  }
0x4b: {  	p2 =	seq.s32 @!p1 s18, $0x1;
	s17 =	sand.u32 @!p1 $0x1FFFFFE0, s17  }
0x4c: {  	s19 =	simm.s32 @!p1 $0x0;
	p0 =	por !p2, p1;
	s17 =	sadd.s32 @!p1 s4, s17  }
0x4d: {  	[tilespmem:s19], [sflag:$0x4] =	stream.linear.gather @!p1 [hbm4b:s17+s19], $0x100, $0x38;
	[tilespmem:$0x1C400] =	vst v63  }
0x4e: {  	s17 =	simm.s32 @!p0 $0x4  }
0x4f: {  	_ =	swait.ge @!p0 [sflag:s17], $0x100  }
0x50: {  	s20 =	simm.s32 @!p0 $0x300;
	[sflag:s17] =	ssyncset.done @!p0 $0x0  }
0x51: {  	s19 =	simm.s32 @!p0 $0x0;
	[sflag:s17] =	ssyncadd.s32 @!p0 $0xFFFFFF00;
	s17 =	simm.s32 @!p0 $0x80  }
0x52: {  	[tilespmem:s20], [sflag:$0x1] =	stream.indirect.gather @!p0 [hbm4b:s1+s17], $0x80, s19, s17, $0xb8;
	[tilespmem:$0x1C400] =	vst v63  }
0x53: {  	s19 =	simm.s32 @!p0 $0x4300  }
0x54: {  	[tilespmem:s19], [sflag:$0x1] =	stream.indirect.gather @!p0 [hbm4b:s1+s17], $0x80, s17, s17, $0xb8;
	[tilespmem:$0x1C400] =	vst v63  }
0x55: {  	p0 =	por p2, p1  }
0x56: {  	s17 =	sand.u32 @!p0 $0xFFFFFF00, s16;
	p3 =	slt.u32 @!p0 s18, $0x3  }
0x57: {  	s19 =	sadd.s32 @!p0 $0x100, s17;
	p2 =	por @!p1 p3, p2  }
0x58: {  	s20 =	simm.s32 @!p0 $0x0;
	s19 =	sshrl.u32 @!p0 s19, $0x3;
	p1 =	por p2, p1  }
0x59: {  	s21 =	simm.s32 @!p0 $0x100;
	s19 =	sadd.s32 @!p0 s4, s19;
	s17 =	sadd.s32 @!p1 $0x200, s17  }
0x5a: {  	[tilespmem:s21], [sflag:$0x5] =	stream.linear.gather @!p0 [hbm4b:s19+s20], $0x100, $0x38;
	[tilespmem:$0x1C400] =	vst v63  }
0x5b: {  	s17 =	sshrl.u32 @!p1 s17, $0x3  }
0x5c: {  	s22 =	simm.s32 @!p1 $0x200;
	s19 =	simm.s32 @!p1 $0x0;
	s17 =	sadd.s32 @!p1 s4, s17  }
0x5d: {  	[tilespmem:s22], [sflag:$0x6] =	stream.linear.gather @!p1 [hbm4b:s17+s19], $0x100, $0x38;
	[tilespmem:$0x1C400] =	vst v63  }
0x5e: {  	s17 =	simm.s32 @!p0 $0x4  }
0x5f: {  	_ =	swait.ge @!p0 [sflag:s17], $0x100  }
0x60: {  	[sflag:s17] =	ssyncset.done @!p0 $0x0  }
0x61: {  	s19 =	simm.s32 @!p0 $0x300;
	[sflag:s17] =	ssyncadd.s32 @!p0 $0xFFFFFF00;
	s17 =	simm.s32 @!p0 $0x80  }
0x62: {  	[tilespmem:s19], [sflag:$0x1] =	stream.indirect.gather @!p0 [hbm4b:s1+s17], $0x80, s20, s17, $0xb8;
	[tilespmem:$0x1C400] =	vst v63  }
0x63: {  	s19 =	simm.s32 @!p0 $0x4300  }
0x64: {  	[tilespmem:s19], [sflag:$0x1] =	stream.indirect.gather @!p0 [hbm4b:s1+s17], $0x80, s17, s17, $0xb8;
	[tilespmem:$0x1C400] =	vst v63  }
0x65: {  	s19 =	simm.s32 @!p0 $0x5  }
0x66: {  	_ =	swait.ge @!p0 [sflag:s19], $0x100  }
0x67: {  	[sflag:s19] =	ssyncset.done @!p0 $0x0  }
.Ltmp3:
0x68: {  	[sflag:s19] =	ssyncadd.s32 @!p0 $0xFFFFFF00;
	s19 =	simm.s32 @!p0 $0x8300;
	(pc) =	sbr.rel .LBB2_4-.Ltmp3, $4  }
0x69: {  	[tilespmem:s19], [sflag:$0x2] =	stream.indirect.gather @!p0 [hbm4b:s1+s17], $0x80, s21, s17, $0xb8;
	[tilespmem:$0x1C400] =	vst v63  }
0x6a: {  	s20 =	simm.s32 @!p0 $0xC300;
	s19 =	simm.s32 @!p0 $0x180;
	s21 =	simm.s32 $0x0  }
0x6b: {  	[tilespmem:s20], [sflag:$0x2] =	stream.indirect.gather @!p0 [hbm4b:s1+s17], $0x80, s19, s17, $0xb8;
	[tilespmem:$0x1C400] =	vst v63  }
0x6c: {  	s17 =	sadd.s32 $0xFFFFFFFE, s18;
	s18 =	sadd.s32 $0xFFFFFFFD, s18;
	s20 =	simm.s32 $0xFFFFFFFF  }
.LBB2_5:
0x6d: {  	v7 =	vimm.f32 $0.0e+00;
	v6 =	vimm.f32 $0.0e+00  }
0x6e: {  	v5 =	vimm.f32 $0.0e+00;
	v4 =	vimm.f32 $0.0e+00;
	v3 =	vimm.f32 $0.0e+00  }
0x6f: {  	v2 =	vimm.f32 $0.0e+00;
	v1 =	vimm.f32 $0.0e+00;
	v0 =	vimm.f32 $0.0e+00  }
.LBB2_28:
0x70: {  	s16 =	ssub.s32 s19, s16  }
0x71: {  	p0 =	sgt.s32 s16, $0x1  }
0x72: {  	s16 =	simm.s32 @!p0 $0x1  }
0x73: {  	s16 =	scvt.s32.f32 s16;
	_ =	sdelay $0x1  }
0x74: {  	v8 =	vmov s16  }
0x75: {  	(erf) = vrcp.f32 v8;
	_ =	sdelay $0x8  }
0x76: {  	v8 =	vpop (erf)  }
0x77: {  	s31 =	sshll.u32 s21, $0x7;
	v7 =	vmul.f32 v7, v8  }
0x78: {  	s16 =	sand.u32 $0x3FFFFF80, s31;
	v6 =	vmul.f32 v6, v8  }
0x79: {  	v5 =	vmul.f32 v5, v8;
	[tilespmem:s16+$0x18300] =	vst v7  }
0x7a: {  	s21 =	sadd.s32 $0x1, s21;
	v4 =	vmul.f32 v4, v8;
	[tilespmem:s16+$0x18310] =	vst v6  }
0x7b: {  	p0 =	sne.s32 s21, $0x80;
	v3 =	vmul.f32 v3, v8;
	[tilespmem:s16+$0x18320] =	vst v5  }
.Ltmp4:
0x7c: {  	v2 =	vmul.f32 v2, v8;
	[tilespmem:s16+$0x18330] =	vst v4;
	(pc) =	sbr.rel @!p0 .LBB2_29-.Ltmp4, $4  }
0x7d: {  	v1 =	vmul.f32 v1, v8;
	[tilespmem:s16+$0x18340] =	vst v3  }
0x7e: {  	v0 =	vmul.f32 v0, v8;
	[tilespmem:s16+$0x18350] =	vst v2  }
0x7f: {  	[tilespmem:s16+$0x18360] =	vst v1  }
0x80: {  	[tilespmem:s16+$0x18370] =	vst v0;
	s16 =	smov.u32 s19  }
.LBB2_4:
0x81: {  	s19 =	sld [smem:s21+$0x1];
	_ =	sdelay $0x1  }
0x82: {  	s22 =	sadd.s32 $0x1, s16  }
0x83: {  	p0 =	sgt.s32 s19, s22  }
0x84: {  	s22 =	smov.u32 @p0 s19  }
0x85: {  	s22 =	sadd.s32 $0xFFFFFFFF, s22  }
0x86: {  	s25 =	sshrl.u32 s16, $0x8;
	s22 =	sshrl.u32 s22, $0x8  }
0x87: {  	s22 =	ssub.s32 s22, s25  }
0x88: {  	p0 =	sgt.s32 s19, s16;
	s23 =	sadd.s32 $0x1, s22  }
0x89: {  	s23 =	simm.s32 @!p0 $0x0  }
0x8a: {  	p0 =	slt.s32 s23, $0x1  }
.Ltmp5:
0x8b: {  	_ = 	snop;
	(pc) =	sbr.rel @p0 .LBB2_5-.Ltmp5, $1  }
0x8c: {  	_ =	sdelay $0x3  }
.Ltmp6:
0x8d: {  	(pc) =	sbr.rel .LBB2_7-.Ltmp6, $4  }
0x8e: {  	_ = 	snop  }
0x8f: {  	v0 =	vimm.f32 $0.0e+00;
	v1 =	vimm.f32 $0.0e+00  }
0x90: {  	s22 =	sshll.u32 s25, $0x8;
	v2 =	vimm.f32 $0.0e+00;
	v3 =	vimm.f32 $0.0e+00;
	v4 =	vimm.f32 $0.0e+00  }
0x91: {  	s23 =	sadd.s32 s25, s23;
	p0 =	seq.s32 s25, s20;
	v5 =	vimm.f32 $0.0e+00;
	v6 =	vimm.f32 $0.0e+00;
	v7 =	vimm.f32 $0.0e+00;
	s24 =	ssub.s32 $0x0, s22  }
.LBB2_14:
0x92: {  	_ = 	snop  }
0x93: {  	v4 =	vadd.f32 v9, v4  }
0x94: {  	v3 =	vadd.f32 v8, v3;
	v2 =	vadd.f32 v10, v2  }
0x95: {  	v1 =	vadd.f32 v11, v1;
	v7 =	vadd.f32 v12, v7  }
.LBB2_27:
0x96: {  	s25 =	sadd.s32 $0x1, s20  }
0x97: {  	p1 =	slt.s32 s25, s23  }
.Ltmp7:
0x98: {  	_ = 	snop;
	(pc) =	sbr.rel @!p1 .LBB2_28-.Ltmp7, $2  }
0x99: {  	_ =	sdelay $0x2  }
0x9a: {  	s22 =	sadd.s32 $0x100, s22;
	s24 =	sadd.s32 $0xFFFFFF00, s24;
	p0 =	por $0x0, $0x0  }
.LBB2_7:
0x9b: {  	s20 =	smov.u32 s25;
	s25 =	ssub.s32 s25, s15  }
0x9c: {  	s26 =	smulhi.u32 $0x55555556, s25;
	s28 =	sshra.s32 s25, $0x1F  }
0x9d: {  	s28 =	smul.u32 $0x55555556, s28;
	_ =	sdelay $0x1  }
0x9e: {  	s26 =	sadd.s32 s28, s26  }
.Ltmp8:
0x9f: {  	s28 =	sshrl.u32 s26, $0x1F;
	(pc) =	sbr.rel @p0 .LBB2_17-.Ltmp8, $3  }
0xa0: {  	s26 =	sadd.s32 s28, s26  }
0xa1: {  	s26 =	smul.u32 $0x3, s26;
	_ =	sdelay $0x1  }
0xa2: {  	s28 =	ssub.s32 s25, s26  }
0xa3: {  	p0 =	seq.s32 s28, $0x1  }
.Ltmp9:
0xa4: {  	_ = 	snop;
	(pc) =	sbr.rel @p0 .LBB2_15-.Ltmp9, $1  }
0xa5: {  	_ =	sdelay $0x3  }
0xa6: {  	p0 =	sne.s32 s28, $0x0  }
.Ltmp10:
0xa7: {  	_ = 	snop;
	(pc) =	sbr.rel @p0 .LBB2_16-.Ltmp10, $1  }
0xa8: {  	_ =	sdelay $0x3  }
0xa9: {  	_ =	swait.ge [sflag:s11], $0x4000  }
0xaa: {  	[sflag:s11] =	ssyncset.done $0x0  }
0xab: {  	[sflag:s11] =	ssyncadd.s32 $0xFFFFC000  }
0xac: {  	_ =	swait.ge [sflag:s11], $0x4000  }
0xad: {  	p0 =	sge.s32 s25, s17;
	[sflag:s11] =	ssyncset.done $0x0  }
0xae: {  	s26 =	simm.s32 @!p0 $0x6;
	[sflag:s11] =	ssyncadd.s32 $0xFFFFC000  }
0xaf: {  	_ =	swait.ge @!p0 [sflag:s26], $0x100  }
0xb0: {  	s28 =	simm.s32 @!p0 $0x200;
	[sflag:s26] =	ssyncset.done @!p0 $0x0  }
0xb1: {  	s29 =	simm.s32 @!p0 $0x10300;
	[sflag:s26] =	ssyncadd.s32 @!p0 $0xFFFFFF00;
	s26 =	simm.s32 @!p0 $0x80  }
0xb2: {  	[tilespmem:s29], [sflag:$0x3] =	stream.indirect.gather @!p0 [hbm4b:s1+s26], $0x80, s28, s26, $0xb8;
	[tilespmem:$0x1C400] =	vst v63  }
0xb3: {  	s28 =	simm.s32 @!p0 $0x280;
	s29 =	simm.s32 @!p0 $0x14300  }
0xb4: {  	[tilespmem:s29], [sflag:$0x3] =	stream.indirect.gather @!p0 [hbm4b:s1+s26], $0x80, s28, s26, $0xb8;
	[tilespmem:$0x1C400] =	vst v63  }
0xb5: {  	p0 =	sge.s32 s25, s18  }
0xb6: {  	s25 =	sshll.u32 @!p0 s20, $0x8  }
0xb7: {  	s31 =	sshll.u32 s20, $0x8;
	s25 =	sadd.s32 @!p0 $0x300, s25  }
0xb8: {  	s28 =	sadd.s32 $0x100, s31;
	s25 =	sshrl.u32 @!p0 s25, $0x3  }
.Ltmp11:
0xb9: {  	s26 =	simm.s32 @!p0 $0x0;
	s25 =	sadd.s32 @!p0 s4, s25;
	(pc) =	sbr.rel .LBB2_11-.Ltmp11, $4  }
0xba: {  	[tilespmem:s26], [sflag:$0x4] =	stream.linear.gather @!p0 [hbm4b:s25+s26], $0x100, $0x38;
	[tilespmem:$0x1C400] =	vst v63  }
0xbb: {  	p1 =	slt.s32 s19, s28;
	p0 =	sgt.s32 s16, s31;
	s26 =	smov.u32 s31  }
0xbc: {  	s28 =	smov.u32 @p1 s19;
	s26 =	smov.u32 @p0 s16  }
0xbd: {  	s25 =	ssub.s32 s28, s31;
	s26 =	ssub.s32 s26, s31  }
.LBB2_15:
0xbe: {  	_ =	swait.ge [sflag:s10], $0x4000  }
0xbf: {  	[sflag:s10] =	ssyncset.done $0x0  }
0xc0: {  	[sflag:s10] =	ssyncadd.s32 $0xFFFFC000  }
0xc1: {  	_ =	swait.ge [sflag:s10], $0x4000  }
0xc2: {  	p0 =	sge.s32 s25, s17;
	[sflag:s10] =	ssyncset.done $0x0  }
0xc3: {  	s26 =	simm.s32 @!p0 $0x4;
	[sflag:s10] =	ssyncadd.s32 $0xFFFFC000  }
0xc4: {  	_ =	swait.ge @!p0 [sflag:s26], $0x100  }
0xc5: {  	s28 =	simm.s32 @!p0 $0x0;
	[sflag:s26] =	ssyncset.done @!p0 $0x0  }
0xc6: {  	s29 =	simm.s32 @!p0 $0x300;
	[sflag:s26] =	ssyncadd.s32 @!p0 $0xFFFFFF00;
	s26 =	simm.s32 @!p0 $0x80  }
0xc7: {  	[tilespmem:s29], [sflag:$0x1] =	stream.indirect.gather @!p0 [hbm4b:s1+s26], $0x80, s28, s26, $0xb8;
	[tilespmem:$0x1C400] =	vst v63  }
0xc8: {  	s28 =	simm.s32 @!p0 $0x4300  }
0xc9: {  	[tilespmem:s28], [sflag:$0x1] =	stream.indirect.gather @!p0 [hbm4b:s1+s26], $0x80, s26, s26, $0xb8;
	[tilespmem:$0x1C400] =	vst v63  }
0xca: {  	p0 =	sge.s32 s25, s18  }
0xcb: {  	s25 =	sshll.u32 @!p0 s20, $0x8  }
0xcc: {  	s25 =	sadd.s32 @!p0 $0x300, s25  }
0xcd: {  	s25 =	sshrl.u32 @!p0 s25, $0x3  }
0xce: {  	s26 =	simm.s32 @!p0 $0x0;
	s28 =	simm.s32 @!p0 $0x100;
	s25 =	sadd.s32 @!p0 s4, s25  }
0xcf: {  	[tilespmem:s28], [sflag:$0x5] =	stream.linear.gather @!p0 [hbm4b:s25+s26], $0x100, $0x38;
	[tilespmem:$0x1C400] =	vst v63  }
.Ltmp12:
0xd0: {  	s31 =	sshll.u32 s20, $0x8;
	(pc) =	sbr.rel .LBB2_19-.Ltmp12, $4  }
0xd1: {  	s28 =	sadd.s32 $0x100, s31  }
0xd2: {  	p0 =	sgt.s32 s16, s31;
	s26 =	smov.u32 s31;
	p1 =	slt.s32 s19, s28  }
0xd3: {  	s26 =	smov.u32 @p0 s16;
	s28 =	smov.u32 @p1 s19  }
0xd4: {  	s26 =	ssub.s32 s26, s31;
	s25 =	ssub.s32 s28, s31  }
.LBB2_16:
0xd5: {  	_ =	swait.ge [sflag:s12], $0x4000  }
0xd6: {  	[sflag:s12] =	ssyncset.done $0x0  }
0xd7: {  	[sflag:s12] =	ssyncadd.s32 $0xFFFFC000  }
0xd8: {  	_ =	swait.ge [sflag:s12], $0x4000  }
0xd9: {  	p0 =	sge.s32 s25, s17;
	[sflag:s12] =	ssyncset.done $0x0  }
0xda: {  	s26 =	simm.s32 @!p0 $0x5;
	[sflag:s12] =	ssyncadd.s32 $0xFFFFC000  }
0xdb: {  	_ =	swait.ge @!p0 [sflag:s26], $0x100  }
0xdc: {  	s29 =	simm.s32 @!p0 $0x100;
	[sflag:s26] =	ssyncset.done @!p0 $0x0  }
0xdd: {  	s30 =	simm.s32 @!p0 $0x8300;
	[sflag:s26] =	ssyncadd.s32 @!p0 $0xFFFFFF00;
	s26 =	simm.s32 @!p0 $0x80  }
0xde: {  	[tilespmem:s30], [sflag:$0x2] =	stream.indirect.gather @!p0 [hbm4b:s1+s26], $0x80, s29, s26, $0xb8;
	[tilespmem:$0x1C400] =	vst v63  }
0xdf: {  	s29 =	simm.s32 @!p0 $0x180;
	s30 =	simm.s32 @!p0 $0xC300  }
0xe0: {  	[tilespmem:s30], [sflag:$0x2] =	stream.indirect.gather @!p0 [hbm4b:s1+s26], $0x80, s29, s26, $0xb8;
	[tilespmem:$0x1C400] =	vst v63  }
0xe1: {  	p0 =	sge.s32 s25, s18  }
0xe2: {  	s25 =	sshll.u32 @!p0 s20, $0x8  }
0xe3: {  	s25 =	sadd.s32 @!p0 $0x300, s25  }
0xe4: {  	s25 =	sshrl.u32 @!p0 s25, $0x3  }
0xe5: {  	s26 =	simm.s32 @!p0 $0x0;
	s29 =	simm.s32 @!p0 $0x200;
	s25 =	sadd.s32 @!p0 s4, s25  }
0xe6: {  	[tilespmem:s29], [sflag:$0x6] =	stream.linear.gather @!p0 [hbm4b:s25+s26], $0x100, $0x38;
	[tilespmem:$0x1C400] =	vst v63  }
.LBB2_17:
0xe7: {  	s25 =	sshll.u32 s20, $0x8  }
0xe8: {  	p0 =	sgt.s32 s16, s25;
	s26 =	smov.u32 s25  }
0xe9: {  	s26 =	smov.u32 @p0 s16;
	p0 =	seq.s32 s28, $0x0  }
.Ltmp13:
0xea: {  	_ = 	snop;
	(pc) =	sbr.rel @p0 .LBB2_11-.Ltmp13, $4  }
0xeb: {  	s29 =	sadd.s32 $0x100, s25  }
0xec: {  	p1 =	slt.s32 s19, s29  }
0xed: {  	s29 =	smov.u32 @p1 s19  }
0xee: {  	s26 =	ssub.s32 s26, s25;
	s25 =	ssub.s32 s29, s25  }
0xef: {  	p0 =	sne.s32 s28, $0x1  }
.Ltmp14:
0xf0: {  	_ = 	snop;
	(pc) =	sbr.rel @p0 .LBB2_23-.Ltmp14, $1  }
0xf1: {  	_ =	sdelay $0x3  }
.LBB2_19:
0xf2: {  	p0 =	sge.s32 s26, s25  }
.Ltmp15:
0xf3: {  	_ = 	snop;
	(pc) =	sbr.rel @p0 .LBB2_27-.Ltmp15, $1  }
0xf4: {  	_ =	sdelay $0x3  }
0xf5: {  	s28 =	sshll.u32 s26, $0x9  }
0xf6: {  	s28 =	sshra.s32 s28, $0x2  }
0xf7: {  	s28 =	sadd.s32 $0x8340, s28  }
0xf8: {  	v11 =	vld [tilespmem:s28+$0x30]  }
0xf9: {  	s26 =	sadd.s32 $0x1, s26;
	v12 =	vld [tilespmem:s28+$0xFFFFFFD0]  }
0xfa: {  	p0 =	slt.s32 s26, s25;
	v13 =	vld [tilespmem:s28+$0xFFFFFFE0]  }
.Ltmp16:
0xfb: {  	v9 =	vld [tilespmem:s28+$0xFFFFFFF0];
	(pc) =	sbr.rel @!p0 .LBB2_22-.Ltmp16, $4  }
0xfc: {  	v8 =	vld [tilespmem:s28+$0x0]  }
0xfd: {  	v10 =	vld [tilespmem:s28+$0x10]  }
0xfe: {  	v0 =	vadd.f32 v11, v0;
	v11 =	vld [tilespmem:s28+$0x20]  }
0xff: {  	v6 =	vadd.f32 v12, v6;
	v12 =	vld [tilespmem:s28+$0xFFFFFFC0];
	v5 =	vadd.f32 v13, v5;
	s28 =	sadd.s32 $0x80, s28  }
.LBB2_21:
0x100: {  	v13 =	vld [tilespmem:s28+$0x30];
	s26 =	sadd.s32 $0x1, s26;
	v4 =	vadd.f32 v9, v4  }
0x101: {  	v14 =	vld [tilespmem:s28+$0xFFFFFFD0];
	p0 =	slt.s32 s26, s25;
	v3 =	vadd.f32 v8, v3  }
0x102: {  	v15 =	vld [tilespmem:s28+$0xFFFFFFE0];
	v2 =	vadd.f32 v10, v2  }
.Ltmp17:
0x103: {  	v9 =	vld [tilespmem:s28+$0xFFFFFFF0];
	v1 =	vadd.f32 v11, v1;
	(pc) =	sbr.rel @p0 .LBB2_21-.Ltmp17, $4  }
0x104: {  	v8 =	vld [tilespmem:s28+$0x0];
	v7 =	vadd.f32 v12, v7  }
0x105: {  	v10 =	vld [tilespmem:s28+$0x10];
	v0 =	vadd.f32 v13, v0  }
0x106: {  	v6 =	vadd.f32 v14, v6;
	v11 =	vld [tilespmem:s28+$0x20]  }
0x107: {  	v12 =	vld [tilespmem:s28+$0xFFFFFFC0];
	v5 =	vadd.f32 v15, v5;
	s28 =	sadd.s32 $0x80, s28  }
.LBB2_22:
.Ltmp18:
0x108: {  	_ = 	snop;
	(pc) =	sbr.rel .LBB2_27-.Ltmp18, $4  }
0x109: {  	_ = 	snop  }
0x10a: {  	v4 =	vadd.f32 v9, v4  }
0x10b: {  	v3 =	vadd.f32 v8, v3;
	v2 =	vadd.f32 v10, v2  }
0x10c: {  	v1 =	vadd.f32 v11, v1;
	v7 =	vadd.f32 v12, v7  }
.LBB2_11:
0x10d: {  	p0 =	sge.s32 s26, s25  }
.Ltmp19:
0x10e: {  	_ = 	snop;
	(pc) =	sbr.rel @p0 .LBB2_27-.Ltmp19, $1  }
0x10f: {  	_ =	sdelay $0x3  }
0x110: {  	s28 =	sshll.u32 s26, $0x9  }
0x111: {  	s28 =	sshra.s32 s28, $0x2  }
0x112: {  	s28 =	sadd.s32 $0x340, s28  }
0x113: {  	v11 =	vld [tilespmem:s28+$0x30]  }
0x114: {  	v12 =	vld [tilespmem:s28+$0xFFFFFFD0]  }
0x115: {  	s26 =	sadd.s32 $0x1, s26;
	v13 =	vld [tilespmem:s28+$0xFFFFFFE0]  }
0x116: {  	p0 =	slt.s32 s26, s25;
	v9 =	vld [tilespmem:s28+$0xFFFFFFF0]  }
.Ltmp20:
0x117: {  	v8 =	vld [tilespmem:s28+$0x0];
	(pc) =	sbr.rel @!p0 .LBB2_14-.Ltmp20, $4  }
0x118: {  	v10 =	vld [tilespmem:s28+$0x10]  }
0x119: {  	v0 =	vadd.f32 v11, v0;
	v11 =	vld [tilespmem:s28+$0x20]  }
0x11a: {  	v6 =	vadd.f32 v12, v6;
	v12 =	vld [tilespmem:s28+$0xFFFFFFC0]  }
0x11b: {  	v5 =	vadd.f32 v13, v5;
	s28 =	sadd.s32 $0x80, s28  }
.LBB2_13:
0x11c: {  	v13 =	vld [tilespmem:s28+$0x30];
	s26 =	sadd.s32 $0x1, s26;
	v4 =	vadd.f32 v9, v4  }
0x11d: {  	v3 =	vadd.f32 v8, v3;
	v14 =	vld [tilespmem:s28+$0xFFFFFFD0];
	p0 =	slt.s32 s26, s25  }
0x11e: {  	v2 =	vadd.f32 v10, v2;
	v15 =	vld [tilespmem:s28+$0xFFFFFFE0]  }
.Ltmp21:
0x11f: {  	v1 =	vadd.f32 v11, v1;
	v9 =	vld [tilespmem:s28+$0xFFFFFFF0];
	(pc) =	sbr.rel @p0 .LBB2_13-.Ltmp21, $4  }
0x120: {  	v7 =	vadd.f32 v12, v7;
	v8 =	vld [tilespmem:s28+$0x0]  }
0x121: {  	v10 =	vld [tilespmem:s28+$0x10];
	v0 =	vadd.f32 v13, v0  }
0x122: {  	v6 =	vadd.f32 v14, v6;
	v11 =	vld [tilespmem:s28+$0x20]  }
0x123: {  	v12 =	vld [tilespmem:s28+$0xFFFFFFC0];
	v5 =	vadd.f32 v15, v5;
	s28 =	sadd.s32 $0x80, s28  }
.Ltmp22:
0x124: {  	_ = 	snop;
	(pc) =	sbr.rel .LBB2_14-.Ltmp22, $1  }
0x125: {  	_ =	sdelay $0x3  }
.LBB2_23:
0x126: {  	p0 =	slt.s32 s26, s25  }
.Ltmp23:
0x127: {  	_ = 	snop;
	(pc) =	sbr.rel @!p0 .LBB2_27-.Ltmp23, $1  }
0x128: {  	_ =	sdelay $0x3  }
0x129: {  	p0 =	sgt.s32 s16, s22;
	s28 =	smov.u32 s22  }
0x12a: {  	s28 =	smov.u32 @p0 s16  }
0x12b: {  	s28 =	sadd.s32 s24, s28  }
0x12c: {  	s28 =	sshll.u32 s28, $0x9  }
0x12d: {  	s28 =	sshra.s32 s28, $0x2  }
0x12e: {  	s28 =	sadd.s32 $0x10340, s28  }
0x12f: {  	v11 =	vld [tilespmem:s28+$0x30]  }
0x130: {  	s26 =	sadd.s32 $0x1, s26;
	v12 =	vld [tilespmem:s28+$0xFFFFFFD0]  }
0x131: {  	p0 =	slt.s32 s26, s25;
	v13 =	vld [tilespmem:s28+$0xFFFFFFE0]  }
.Ltmp24:
0x132: {  	v9 =	vld [tilespmem:s28+$0xFFFFFFF0];
	(pc) =	sbr.rel @!p0 .LBB2_26-.Ltmp24, $4  }
0x133: {  	v8 =	vld [tilespmem:s28+$0x0]  }
0x134: {  	v10 =	vld [tilespmem:s28+$0x10]  }
0x135: {  	v0 =	vadd.f32 v11, v0;
	v11 =	vld [tilespmem:s28+$0x20]  }
0x136: {  	v6 =	vadd.f32 v12, v6;
	v12 =	vld [tilespmem:s28+$0xFFFFFFC0];
	v5 =	vadd.f32 v13, v5;
	s28 =	sadd.s32 $0x80, s28  }
.LBB2_25:
0x137: {  	v13 =	vld [tilespmem:s28+$0x30];
	s26 =	sadd.s32 $0x1, s26;
	v4 =	vadd.f32 v9, v4  }
0x138: {  	v14 =	vld [tilespmem:s28+$0xFFFFFFD0];
	p0 =	slt.s32 s26, s25;
	v3 =	vadd.f32 v8, v3  }
0x139: {  	v15 =	vld [tilespmem:s28+$0xFFFFFFE0];
	v2 =	vadd.f32 v10, v2  }
.Ltmp25:
0x13a: {  	v9 =	vld [tilespmem:s28+$0xFFFFFFF0];
	v1 =	vadd.f32 v11, v1;
	(pc) =	sbr.rel @p0 .LBB2_25-.Ltmp25, $4  }
0x13b: {  	v8 =	vld [tilespmem:s28+$0x0];
	v7 =	vadd.f32 v12, v7  }
0x13c: {  	v10 =	vld [tilespmem:s28+$0x10];
	v0 =	vadd.f32 v13, v0  }
0x13d: {  	v6 =	vadd.f32 v14, v6;
	v11 =	vld [tilespmem:s28+$0x20]  }
0x13e: {  	v12 =	vld [tilespmem:s28+$0xFFFFFFC0];
	v5 =	vadd.f32 v15, v5;
	s28 =	sadd.s32 $0x80, s28  }
.LBB2_26:
.Ltmp26:
0x13f: {  	_ = 	snop;
	(pc) =	sbr.rel .LBB2_27-.Ltmp26, $4  }
0x140: {  	_ = 	snop  }
0x141: {  	v4 =	vadd.f32 v9, v4  }
0x142: {  	v3 =	vadd.f32 v8, v3;
	v2 =	vadd.f32 v10, v2  }
0x143: {  	v1 =	vadd.f32 v11, v1;
	v7 =	vadd.f32 v12, v7  }
.LBB2_30:
0x144: {  	_ =	sfence.sel $0x180000  }
0x145: {  	[bflag:$0x0] =	sbarrier.arrive $0xFFFF  }
0x146: {  	p0 =	sne.s32 s2, $0x0;
	_ =	strace $0x90000047  }
0x147: {  	s0 =	sadd.s32 @!p0 $0x100000, s0;
	[bflag:$0x2] =	sbarrier.arrive $0xFFFF  }
0x148: {  	[sflag:s0] =	ssyncadd.tile.s32 @!p0 $0x1;
	_ =	shalt  }
.Lfunc_end2:
_tile_overlayer_lowered:
.L_overlay_start_2:
0x149: {  	(tag) =	ssettag $0x2  }
0x14a: {  	s0 =	rddreg [dreg:$0x0];
	s2 =	stileid.u32  }
0x14b: {  	s1 =	rddreg [dreg:$0x1];
	p0 =	sne.s32 s2, $0x0  }
0x14c: {  	s3 =	rddreg [dreg:$0x2];
	[bflag:$0x3] =	sbarrier.arrive $0xFFFF;
	s2 =	simm.s32 @!p0 $0x1C07  }
0x14d: {  	[timem:s3], [sflag:s2] =	dma.local @!p0 [hbm:s0], s1  }
0x14e: {  	s0 =	simm.s32 @!p0 $0x7  }
0x14f: {  	_ =	swait.ge @!p0 [sflag:s0], s1  }
0x150: {  	s1 =	ssub.s32 @!p0 $0x0, s1;
	[sflag:s0] =	ssyncset.done @!p0 $0x0  }
0x151: {  	[sflag:s0] =	ssyncadd.s32 @!p0 s1  }
0x152: {  	[bflag:$0x3] =	sbarrier.arrive $0xFFFF  }
0x153: {  	_ =	shalt  }

</sc_bundles>
